<compile_context>
chip_gen: v7x
topology: tpu7x:2x2x1
jax: 0.10.2.dev20260603
libtpu: 0.0.44.dev20260713+nightly
codegen_flags: <defaults>
</compile_context>

<pallas_src>
import functools

import jax
import jax.numpy as jnp
from jax import lax
from jax.experimental import pallas as pl
from jax.experimental.pallas import tpu as pltpu
from jax.experimental.pallas import tpu_sc as plsc

_B = 16384
_N = 1000
_NC = 2
_NS = 16
_CPW = _B // _NS
_RCHUNK = 40
_NGRP = _CPW // 16
_ROWS0 = 440
_CHUNKS0 = _ROWS0 // _RCHUNK
_CHUNKS1 = (_N - _ROWS0) // _RCHUNK


def _make_sc_one_hot():
    mesh = plsc.VectorSubcoreMesh(core_axis_name="c", subcore_axis_name="s")

    @functools.partial(
        pl.kernel,
        out_type=jax.ShapeDtypeStruct((_N, _B), jnp.float32),
        mesh=mesh,
        compiler_params=pltpu.CompilerParams(needs_layout_passes=False),
        scratch_types=[
            pltpu.VMEM((_CPW,), jnp.int32),
            pltpu.VMEM((_CPW,), jnp.float32),
            pltpu.VMEM((_RCHUNK, _CPW), jnp.float32),
            pltpu.VMEM((_RCHUNK, _CPW), jnp.float32),
            pltpu.SemaphoreType.DMA,
            pltpu.SemaphoreType.DMA,
        ],
    )
    def one_hot_kernel(labels_hbm, src_hbm, zeros_hbm, out_hbm,
                       lab_v, src_v, buf0, buf1, sem0, sem1):
        cid = lax.axis_index("c")
        col0 = lax.axis_index("s") * _CPW

        pltpu.sync_copy(labels_hbm.at[pl.ds(col0, _CPW)], lab_v)
        pltpu.sync_copy(src_hbm.at[pl.ds(col0, _CPW)], src_v)
        pltpu.sync_copy(zeros_hbm, buf0)
        pltpu.sync_copy(zeros_hbm, buf1)

        zeros16 = jnp.zeros((16,), jnp.float32)
        iota16 = lax.iota(jnp.int32, 16)
        bufs = (buf0, buf1)
        sems = (sem0, sem1)

        def scan_chunk(buf, new_r0, old_r0):
            def body(g, carry):
                lab16 = lab_v[pl.ds(g * 16, 16)]
                col16 = iota16 + g * 16
                if old_r0 is not None:
                    old_row = lab16 - old_r0
                    old_msk = (old_row >= 0) & (old_row < _RCHUNK)
                    plsc.store_scatter(buf, [old_row, col16], zeros16,
                                       mask=old_msk)
                new_row = lab16 - new_r0
                new_msk = (new_row >= 0) & (new_row < _RCHUNK)
                plsc.store_scatter(buf, [new_row, col16],
                                   src_v[pl.ds(g * 16, 16)], mask=new_msk)
                return carry

            lax.fori_loop(0, _NGRP, body, 0)

        def start_dma(buf, r0, sem):
            dst = out_hbm.at[pl.ds(r0, _RCHUNK), pl.ds(col0, _CPW)]
            pltpu.async_copy(buf, dst, sem)

        def wait_dma(buf, sem):
            pltpu.make_async_copy(
                buf, out_hbm.at[pl.ds(0, _RCHUNK), pl.ds(col0, _CPW)], sem
            ).wait()

        base = jnp.where(cid == 0, 0, _ROWS0)
        nchunk = jnp.where(cid == 0, _CHUNKS0, _CHUNKS1)

        def r0_of(c):
            return base + c * _RCHUNK

        for b in range(2):
            scan_chunk(bufs[b], r0_of(b), None)
            start_dma(bufs[b], r0_of(b), sems[b])

        def round_body(g, carry):
            c0 = 2 + g * 2
            for b in range(2):
                r0 = r0_of(c0 + b)
                wait_dma(bufs[b], sems[b])
                scan_chunk(bufs[b], r0, r0 - 2 * _RCHUNK)
                start_dma(bufs[b], r0, sems[b])
            return carry

        lax.fori_loop(0, (nchunk - 2) // 2, round_body, 0)

        @pl.when(nchunk % 2 == 1)
        def _():
            r0 = r0_of(nchunk - 1)
            wait_dma(buf0, sem0)
            scan_chunk(buf0, r0, r0 - 2 * _RCHUNK)
            start_dma(buf0, r0, sem0)

        wait_dma(buf1, sem1)
        wait_dma(buf0, sem0)

    return one_hot_kernel


_sc_one_hot = _make_sc_one_hot()


def kernel(labels, src_ones):
    labels_flat = labels.reshape(_B).astype(jnp.int32)
    src_flat = src_ones.reshape(_B).astype(jnp.float32)
    zeros_chunk = jnp.zeros((_RCHUNK, _CPW), jnp.float32)
    out_t = _sc_one_hot(labels_flat, src_flat, zeros_chunk)
    return out_t.T

# --- scband reference (transcript-rebuilt; emitter-appended) ---
"""Pipeline reference for scband-one-hot-54511724920896 (READ-ONLY COPY).

The authoritative reference and input builder live on the scoring server;
editing this copy changes nothing except your own understanding.
"""

import jax, jax.numpy as jnp
import numpy as np

NLABELS = 1000
BATCH = 16384

def setup_inputs(seed: int = 0) -> dict:
    key = jax.random.key(seed)
    k1, = jax.random.split(key, 1)
    labels = jax.random.randint(k1, (BATCH, 1), 0, NLABELS, dtype=jnp.int64) if jax.config.jax_enable_x64 else jax.random.randint(k1, (BATCH, 1), 0, NLABELS, dtype=jnp.int32)
    # source values used by scatter_ (torch.ones(labels.size()))
    src_ones = jnp.ones((BATCH, 1), dtype=jnp.float32)
    return {"labels": labels, "src_ones": src_ones}

def reference(labels, src_ones):
    # mask = zeros(B, nlabels); mask.scatter_(1, labels, ones(labels.size()))
    assert labels.ndim == 2 and labels.shape[1] == 1
    B = labels.shape[0]
    mask = jnp.zeros((B, NLABELS), dtype=jnp.float32)
    rows = jnp.arange(B)
    out = mask.at[rows, labels[:, 0]].set(src_ones[:, 0])
    return out

if __name__ == "__main__":
    import jax
    _d = setup_inputs()
    print(jax.jit(kernel)(*tuple(_d.values())))

</pallas_src>

<mosaic_0001>
#map = affine_map<(d0, d1) -> (0)>
#map1 = affine_map<(d0, d1) -> (0, 0)>
module attributes {stable_mosaic.version = 14 : i64} {
  func.func @one_hot_kernel(%arg0: i32, %arg1: i32, %arg2: memref<16384xi32, #tpu.memory_space<hbm>>, %arg3: memref<16384xf32, #tpu.memory_space<hbm>>, %arg4: memref<40x1024xf32, #tpu.memory_space<hbm>>, %arg5: memref<1000x16384xf32, #tpu.memory_space<hbm>>, %arg6: memref<1024xi32, #tpu.memory_space<vmem>>, %arg7: memref<1024xf32, #tpu.memory_space<vmem>>, %arg8: memref<40x1024xf32, #tpu.memory_space<vmem>>, %arg9: memref<40x1024xf32, #tpu.memory_space<vmem>>, %arg10: memref<!tpu.dma_semaphore, #tpu.memory_space<semaphore_mem>>, %arg11: memref<!tpu.dma_semaphore, #tpu.memory_space<semaphore_mem>>) attributes {dimension_semantics = [#tpu.dimension_semantics<core_parallel>, #tpu.dimension_semantics<subcore_parallel>], iteration_bounds = array<i64: 2, 16>, scalar_prefetch = 0 : i64, scratch_operands = 6 : i64, tpu.core_type = #tpu.core_type<sc_vector_subcore>, window_params = [{transform_indices = #map}, {transform_indices = #map}, {transform_indices = #map1}, {transform_indices = #map1}]} {
    %mul3A = arith.constant 1024 : i32
    %mul3A_0 = arith.muli %arg1, %mul3A : i32
    "tpu.region"() ({
      %run_scoped3A = tpu.sem_alloc : memref<!tpu.dma_semaphore, #tpu.memory_space<semaphore_mem>>
      %dma_start3A_84 = tpu.memref_slice %arg2[%mul3A_0] : memref<16384xi32, #tpu.memory_space<hbm>> -> memref<1024xi32, #tpu.memory_space<hbm>>
      %dma_start3A_85 = tpu.memref_slice %arg2[%mul3A_0] : memref<16384xi32, #tpu.memory_space<hbm>> -> memref<1024xi32, #tpu.memory_space<hbm>>
      tpu.enqueue_dma source(%dma_start3A_85 : memref<1024xi32, #tpu.memory_space<hbm>>) target(%arg6 : memref<1024xi32, #tpu.memory_space<vmem>>) target_semaphore(%run_scoped3A : memref<!tpu.dma_semaphore, #tpu.memory_space<semaphore_mem>>)
      %dma_wait3A_86 = tpu.memref_slice %arg2[%mul3A_0] : memref<16384xi32, #tpu.memory_space<hbm>> -> memref<1024xi32, #tpu.memory_space<hbm>>
      %dma_wait3A_87 = tpu.memref_slice %arg2[%mul3A_0] : memref<16384xi32, #tpu.memory_space<hbm>> -> memref<1024xi32, #tpu.memory_space<hbm>>
      tpu.wait_dma2 semaphore(%run_scoped3A : memref<!tpu.dma_semaphore, #tpu.memory_space<semaphore_mem>>) src(%dma_wait3A_87 : memref<1024xi32, #tpu.memory_space<hbm>>) dst(%arg6 : memref<1024xi32, #tpu.memory_space<vmem>>)
      tpu.yield
    }) : () -> ()
    "tpu.region"() ({
      %run_scoped3A = tpu.sem_alloc : memref<!tpu.dma_semaphore, #tpu.memory_space<semaphore_mem>>
      %dma_start3A_84 = tpu.memref_slice %arg3[%mul3A_0] : memref<16384xf32, #tpu.memory_space<hbm>> -> memref<1024xf32, #tpu.memory_space<hbm>>
      %dma_start3A_85 = tpu.memref_slice %arg3[%mul3A_0] : memref<16384xf32, #tpu.memory_space<hbm>> -> memref<1024xf32, #tpu.memory_space<hbm>>
      tpu.enqueue_dma source(%dma_start3A_85 : memref<1024xf32, #tpu.memory_space<hbm>>) target(%arg7 : memref<1024xf32, #tpu.memory_space<vmem>>) target_semaphore(%run_scoped3A : memref<!tpu.dma_semaphore, #tpu.memory_space<semaphore_mem>>)
      %dma_wait3A_86 = tpu.memref_slice %arg3[%mul3A_0] : memref<16384xf32, #tpu.memory_space<hbm>> -> memref<1024xf32, #tpu.memory_space<hbm>>
      %dma_wait3A_87 = tpu.memref_slice %arg3[%mul3A_0] : memref<16384xf32, #tpu.memory_space<hbm>> -> memref<1024xf32, #tpu.memory_space<hbm>>
      tpu.wait_dma2 semaphore(%run_scoped3A : memref<!tpu.dma_semaphore, #tpu.memory_space<semaphore_mem>>) src(%dma_wait3A_87 : memref<1024xf32, #tpu.memory_space<hbm>>) dst(%arg7 : memref<1024xf32, #tpu.memory_space<vmem>>)
      tpu.yield
    }) : () -> ()
    "tpu.region"() ({
      %run_scoped3A = tpu.sem_alloc : memref<!tpu.dma_semaphore, #tpu.memory_space<semaphore_mem>>
      tpu.enqueue_dma source(%arg4 : memref<40x1024xf32, #tpu.memory_space<hbm>>) target(%arg8 : memref<40x1024xf32, #tpu.memory_space<vmem>>) target_semaphore(%run_scoped3A : memref<!tpu.dma_semaphore, #tpu.memory_space<semaphore_mem>>)
      tpu.wait_dma2 semaphore(%run_scoped3A : memref<!tpu.dma_semaphore, #tpu.memory_space<semaphore_mem>>) src(%arg4 : memref<40x1024xf32, #tpu.memory_space<hbm>>) dst(%arg8 : memref<40x1024xf32, #tpu.memory_space<vmem>>)
      tpu.yield
    }) : () -> ()
    "tpu.region"() ({
      %run_scoped3A = tpu.sem_alloc : memref<!tpu.dma_semaphore, #tpu.memory_space<semaphore_mem>>
      tpu.enqueue_dma source(%arg4 : memref<40x1024xf32, #tpu.memory_space<hbm>>) target(%arg9 : memref<40x1024xf32, #tpu.memory_space<vmem>>) target_semaphore(%run_scoped3A : memref<!tpu.dma_semaphore, #tpu.memory_space<semaphore_mem>>)
      tpu.wait_dma2 semaphore(%run_scoped3A : memref<!tpu.dma_semaphore, #tpu.memory_space<semaphore_mem>>) src(%arg4 : memref<40x1024xf32, #tpu.memory_space<hbm>>) dst(%arg9 : memref<40x1024xf32, #tpu.memory_space<vmem>>)
      tpu.yield
    }) : () -> ()
    %broadcast_in_dim3A = arith.constant 0.000000e+00 : f32
    %broadcast_in_dim3A_1 = vector.broadcast %broadcast_in_dim3A : f32 to vector<16xf32>
    %iota3A = tpu.iota {dimensions = array<i32: 0>} : vector<16xi32>
    %eq3A = arith.constant 0 : i32
    %eq3A_2 = arith.cmpi eq, %arg0, %eq3A : i32
    %jit3A = arith.constant 0 : i32
    %jit3A_3 = arith.constant 440 : i32
    %select_n3A = arith.select %eq3A_2, %jit3A, %jit3A_3 : i32
    %eq3A_4 = arith.constant 0 : i32
    %eq3A_5 = arith.cmpi eq, %arg0, %eq3A_4 : i32
    %jit3A_6 = arith.constant 11 : i32
    %jit3A_7 = arith.constant 14 : i32
    %select_n3A_8 = arith.select %eq3A_5, %jit3A_6, %jit3A_7 : i32
    %add3A = arith.constant 0 : i32
    %add3A_9 = arith.addi %select_n3A, %add3A : i32
    %scan3A = arith.constant 0 : i32
    %scan3A_10 = arith.constant 0 : i32
    %scan3A_11 = arith.constant 64 : i32
    %scan3A_12 = arith.addi %scan3A_10, %scan3A_11 : i32
    %scan3A_13 = arith.constant 1 : i32
    scf.for %scan3A_84 = %scan3A_10 to %scan3A_12 step %scan3A_13  : i32 {
      %mul3A_85 = arith.constant 16 : i32
      %mul3A_86 = arith.muli %scan3A_84, %mul3A_85 : i32
      %get3A = arith.index_cast %mul3A_86 : i32 to index
      %get3A_87 = tpu.vector_load %arg6[%get3A] {strides = array<i32>} : memref<1024xi32, #tpu.memory_space<vmem>>, vector<16xi32>,
      %mul3A_88 = arith.constant 16 : i32
      %mul3A_89 = arith.muli %scan3A_84, %mul3A_88 : i32
      %add3A_90 = vector.broadcast %mul3A_89 : i32 to vector<16xi32>
      %add3A_91 = arith.addi %iota3A, %add3A_90 : vector<16xi32>
      %sub3A_92 = vector.broadcast %add3A_9 : i32 to vector<16xi32>
      %sub3A_93 = arith.subi %get3A_87, %sub3A_92 : vector<16xi32>
      %ge3A = arith.constant 0 : i32
      %ge3A_94 = vector.broadcast %ge3A : i32 to vector<16xi32>
      %ge3A_95 = arith.cmpi sge, %sub3A_93, %ge3A_94 : vector<16xi32>
      %lt3A_96 = arith.constant 40 : i32
      %lt3A_97 = vector.broadcast %lt3A_96 : i32 to vector<16xi32>
      %lt3A_98 = arith.cmpi slt, %sub3A_93, %lt3A_97 : vector<16xi32>
      %and3A_99 = arith.andi %ge3A_95, %lt3A_98 : vector<16xi1>
      %mul3A_100 = arith.constant 16 : i32
      %mul3A_101 = arith.muli %scan3A_84, %mul3A_100 : i32
      %get3A_102 = arith.index_cast %mul3A_101 : i32 to index
      %get3A_103 = tpu.vector_load %arg7[%get3A_102] {strides = array<i32>} : memref<1024xf32, #tpu.memory_space<vmem>>, vector<16xf32>,
      tpu.vector_store_idx %arg8[%sub3A_93, %add3A_91], %get3A_103 masked %and3A_99 : memref<40x1024xf32, #tpu.memory_space<vmem>>[vector<16xi32>, vector<16xi32>], vector<16xf32>, vector<16xi1>
    }
    %scan3A_14 = arith.constant 64 : i32
    %add3A_15 = arith.constant 0 : i32
    %add3A_16 = arith.addi %select_n3A, %add3A_15 : i32
    %dma_start3A = tpu.memref_slice %arg5[%add3A_16, %mul3A_0] : memref<1000x16384xf32, #tpu.memory_space<hbm>> -> memref<40x1024xf32, #tpu.memory_space<hbm>>
    %dma_start3A_17 = tpu.memref_slice %arg5[%add3A_16, %mul3A_0] : memref<1000x16384xf32, #tpu.memory_space<hbm>> -> memref<40x1024xf32, #tpu.memory_space<hbm>>
    tpu.enqueue_dma source(%arg8 : memref<40x1024xf32, #tpu.memory_space<vmem>>) target(%dma_start3A_17 : memref<40x1024xf32, #tpu.memory_space<hbm>>) target_semaphore(%arg10 : memref<!tpu.dma_semaphore, #tpu.memory_space<semaphore_mem>>)
    %add3A_18 = arith.constant 40 : i32
    %add3A_19 = arith.addi %select_n3A, %add3A_18 : i32
    %scan3A_20 = arith.constant 0 : i32
    %scan3A_21 = arith.constant 0 : i32
    %scan3A_22 = arith.constant 64 : i32
    %scan3A_23 = arith.addi %scan3A_21, %scan3A_22 : i32
    %scan3A_24 = arith.constant 1 : i32
    scf.for %scan3A_84 = %scan3A_21 to %scan3A_23 step %scan3A_24  : i32 {
      %mul3A_85 = arith.constant 16 : i32
      %mul3A_86 = arith.muli %scan3A_84, %mul3A_85 : i32
      %get3A = arith.index_cast %mul3A_86 : i32 to index
      %get3A_87 = tpu.vector_load %arg6[%get3A] {strides = array<i32>} : memref<1024xi32, #tpu.memory_space<vmem>>, vector<16xi32>,
      %mul3A_88 = arith.constant 16 : i32
      %mul3A_89 = arith.muli %scan3A_84, %mul3A_88 : i32
      %add3A_90 = vector.broadcast %mul3A_89 : i32 to vector<16xi32>
      %add3A_91 = arith.addi %iota3A, %add3A_90 : vector<16xi32>
      %sub3A_92 = vector.broadcast %add3A_19 : i32 to vector<16xi32>
      %sub3A_93 = arith.subi %get3A_87, %sub3A_92 : vector<16xi32>
      %ge3A = arith.constant 0 : i32
      %ge3A_94 = vector.broadcast %ge3A : i32 to vector<16xi32>
      %ge3A_95 = arith.cmpi sge, %sub3A_93, %ge3A_94 : vector<16xi32>
      %lt3A_96 = arith.constant 40 : i32
      %lt3A_97 = vector.broadcast %lt3A_96 : i32 to vector<16xi32>
      %lt3A_98 = arith.cmpi slt, %sub3A_93, %lt3A_97 : vector<16xi32>
      %and3A_99 = arith.andi %ge3A_95, %lt3A_98 : vector<16xi1>
      %mul3A_100 = arith.constant 16 : i32
      %mul3A_101 = arith.muli %scan3A_84, %mul3A_100 : i32
      %get3A_102 = arith.index_cast %mul3A_101 : i32 to index
      %get3A_103 = tpu.vector_load %arg7[%get3A_102] {strides = array<i32>} : memref<1024xf32, #tpu.memory_space<vmem>>, vector<16xf32>,
      tpu.vector_store_idx %arg9[%sub3A_93, %add3A_91], %get3A_103 masked %and3A_99 : memref<40x1024xf32, #tpu.memory_space<vmem>>[vector<16xi32>, vector<16xi32>], vector<16xf32>, vector<16xi1>
    }
    %scan3A_25 = arith.constant 64 : i32
    %add3A_26 = arith.constant 40 : i32
    %add3A_27 = arith.addi %select_n3A, %add3A_26 : i32
    %dma_start3A_28 = tpu.memref_slice %arg5[%add3A_27, %mul3A_0] : memref<1000x16384xf32, #tpu.memory_space<hbm>> -> memref<40x1024xf32, #tpu.memory_space<hbm>>
    %dma_start3A_29 = tpu.memref_slice %arg5[%add3A_27, %mul3A_0] : memref<1000x16384xf32, #tpu.memory_space<hbm>> -> memref<40x1024xf32, #tpu.memory_space<hbm>>
    tpu.enqueue_dma source(%arg9 : memref<40x1024xf32, #tpu.memory_space<vmem>>) target(%dma_start3A_29 : memref<40x1024xf32, #tpu.memory_space<hbm>>) target_semaphore(%arg11 : memref<!tpu.dma_semaphore, #tpu.memory_space<semaphore_mem>>)
    %sub3A = arith.constant 2 : i32
    %sub3A_30 = arith.subi %select_n3A_8, %sub3A : i32
    %jit3A_31 = arith.constant 2 : i32
    %div3A = arith.divsi %sub3A_30, %jit3A_31 : i32
    %sign3A = arith.constant 0 : i32
    %sign3A_32 = arith.cmpi sgt, %sub3A_30, %sign3A : i32
    %sign3A_33 = arith.extui %sign3A_32 : i1 to i32
    %sign3A_34 = arith.constant 0 : i32
    %sign3A_35 = arith.cmpi slt, %sub3A_30, %sign3A_34 : i32
    %sign3A_36 = arith.extui %sign3A_35 : i1 to i32
    %sign3A_37 = arith.subi %sign3A_33, %sign3A_36 : i32
    %sign3A_38 = arith.constant 0 : i32
    %sign3A_39 = arith.cmpi sgt, %jit3A_31, %sign3A_38 : i32
    %sign3A_40 = arith.extui %sign3A_39 : i1 to i32
    %sign3A_41 = arith.constant 0 : i32
    %sign3A_42 = arith.cmpi slt, %jit3A_31, %sign3A_41 : i32
    %sign3A_43 = arith.extui %sign3A_42 : i1 to i32
    %sign3A_44 = arith.subi %sign3A_40, %sign3A_43 : i32
    %ne3A = arith.cmpi ne, %sign3A_37, %sign3A_44 : i32
    %rem3A = arith.remsi %sub3A_30, %jit3A_31 : i32
    %ne3A_45 = arith.constant 0 : i32
    %ne3A_46 = arith.cmpi ne, %rem3A, %ne3A_45 : i32
    %and3A = arith.andi %ne3A, %ne3A_46 : i1
    %sub3A_47 = arith.constant 1 : i32
    %sub3A_48 = arith.subi %div3A, %sub3A_47 : i32
    %select_n3A_49 = arith.select %and3A, %sub3A_48, %div3A : i32
    %while3A = arith.constant 0 : i32
    %while3A_50 = arith.constant 0 : i32
    %while3A_51 = arith.subi %select_n3A_49, %while3A_50 : i32
    %while3A_52 = arith.addi %while3A_50, %while3A_51 : i32
    %while3A_53 = arith.constant 1 : i32
    %while3A_54 = arith.divsi %while3A_51, %while3A_53 : i32
    %while3A_55 = arith.muli %while3A_54, %while3A_53 : i32
    %while3A_56 = arith.addi %while3A_50, %while3A_55 : i32
    %while3A_57 = arith.constant 1 : i32
    scf.for %while3A_84 = %while3A_50 to %while3A_56 step %while3A_57  : i32 {
      %mul3A_85 = arith.constant 2 : i32
      %mul3A_86 = arith.muli %while3A_84, %mul3A_85 : i32
      %add3A_87 = arith.constant 2 : i32
      %add3A_88 = arith.addi %add3A_87, %mul3A_86 : i32
      %add3A_89 = arith.constant 0 : i32
      %add3A_90 = arith.addi %add3A_88, %add3A_89 : i32
      %mul3A_91 = arith.constant 40 : i32
      %mul3A_92 = arith.muli %add3A_90, %mul3A_91 : i32
      %add3A_93 = arith.addi %select_n3A, %mul3A_92 : i32
      %dma_wait3A_94 = arith.constant 0 : i32
      %dma_wait3A_95 = tpu.memref_slice %arg5[%dma_wait3A_94, %mul3A_0] : memref<1000x16384xf32, #tpu.memory_space<hbm>> -> memref<40x1024xf32, #tpu.memory_space<hbm>>
      %dma_wait3A_96 = arith.constant 0 : i32
      %dma_wait3A_97 = tpu.memref_slice %arg5[%dma_wait3A_96, %mul3A_0] : memref<1000x16384xf32, #tpu.memory_space<hbm>> -> memref<40x1024xf32, #tpu.memory_space<hbm>>
      tpu.wait_dma2 semaphore(%arg10 : memref<!tpu.dma_semaphore, #tpu.memory_space<semaphore_mem>>) src(%arg8 : memref<40x1024xf32, #tpu.memory_space<vmem>>) dst(%dma_wait3A_97 : memref<40x1024xf32, #tpu.memory_space<hbm>>)
      %sub3A_98 = arith.constant 80 : i32
      %sub3A_99 = arith.subi %add3A_93, %sub3A_98 : i32
      %scan3A_100 = arith.constant 0 : i32
      %scan3A_101 = arith.constant 0 : i32
      %scan3A_102 = arith.constant 64 : i32
      %scan3A_103 = arith.addi %scan3A_101, %scan3A_102 : i32
      %scan3A_104 = arith.constant 1 : i32
      scf.for %scan3A_127 = %scan3A_101 to %scan3A_103 step %scan3A_104  : i32 {
        %mul3A_128 = arith.constant 16 : i32
        %mul3A_129 = arith.muli %scan3A_127, %mul3A_128 : i32
        %get3A = arith.index_cast %mul3A_129 : i32 to index
        %get3A_130 = tpu.vector_load %arg6[%get3A] {strides = array<i32>} : memref<1024xi32, #tpu.memory_space<vmem>>, vector<16xi32>,
        %mul3A_131 = arith.constant 16 : i32
        %mul3A_132 = arith.muli %scan3A_127, %mul3A_131 : i32
        %add3A_133 = vector.broadcast %mul3A_132 : i32 to vector<16xi32>
        %add3A_134 = arith.addi %iota3A, %add3A_133 : vector<16xi32>
        %sub3A_135 = vector.broadcast %sub3A_99 : i32 to vector<16xi32>
        %sub3A_136 = arith.subi %get3A_130, %sub3A_135 : vector<16xi32>
        %ge3A = arith.constant 0 : i32
        %ge3A_137 = vector.broadcast %ge3A : i32 to vector<16xi32>
        %ge3A_138 = arith.cmpi sge, %sub3A_136, %ge3A_137 : vector<16xi32>
        %lt3A_139 = arith.constant 40 : i32
        %lt3A_140 = vector.broadcast %lt3A_139 : i32 to vector<16xi32>
        %lt3A_141 = arith.cmpi slt, %sub3A_136, %lt3A_140 : vector<16xi32>
        %and3A_142 = arith.andi %ge3A_138, %lt3A_141 : vector<16xi1>
        tpu.vector_store_idx %arg8[%sub3A_136, %add3A_134], %broadcast_in_dim3A_1 masked %and3A_142 : memref<40x1024xf32, #tpu.memory_space<vmem>>[vector<16xi32>, vector<16xi32>], vector<16xf32>, vector<16xi1>
        %sub3A_143 = vector.broadcast %add3A_93 : i32 to vector<16xi32>
        %sub3A_144 = arith.subi %get3A_130, %sub3A_143 : vector<16xi32>
        %ge3A_145 = arith.constant 0 : i32
        %ge3A_146 = vector.broadcast %ge3A_145 : i32 to vector<16xi32>
        %ge3A_147 = arith.cmpi sge, %sub3A_144, %ge3A_146 : vector<16xi32>
        %lt3A_148 = arith.constant 40 : i32
        %lt3A_149 = vector.broadcast %lt3A_148 : i32 to vector<16xi32>
        %lt3A_150 = arith.cmpi slt, %sub3A_144, %lt3A_149 : vector<16xi32>
        %and3A_151 = arith.andi %ge3A_147, %lt3A_150 : vector<16xi1>
        %mul3A_152 = arith.constant 16 : i32
        %mul3A_153 = arith.muli %scan3A_127, %mul3A_152 : i32
        %get3A_154 = arith.index_cast %mul3A_153 : i32 to index
        %get3A_155 = tpu.vector_load %arg7[%get3A_154] {strides = array<i32>} : memref<1024xf32, #tpu.memory_space<vmem>>, vector<16xf32>,
        tpu.vector_store_idx %arg8[%sub3A_144, %add3A_134], %get3A_155 masked %and3A_151 : memref<40x1024xf32, #tpu.memory_space<vmem>>[vector<16xi32>, vector<16xi32>], vector<16xf32>, vector<16xi1>
      }
      %scan3A_105 = arith.constant 64 : i32
      %dma_start3A_106 = tpu.memref_slice %arg5[%add3A_93, %mul3A_0] : memref<1000x16384xf32, #tpu.memory_space<hbm>> -> memref<40x1024xf32, #tpu.memory_space<hbm>>
      %dma_start3A_107 = tpu.memref_slice %arg5[%add3A_93, %mul3A_0] : memref<1000x16384xf32, #tpu.memory_space<hbm>> -> memref<40x1024xf32, #tpu.memory_space<hbm>>
      tpu.enqueue_dma source(%arg8 : memref<40x1024xf32, #tpu.memory_space<vmem>>) target(%dma_start3A_107 : memref<40x1024xf32, #tpu.memory_space<hbm>>) target_semaphore(%arg10 : memref<!tpu.dma_semaphore, #tpu.memory_space<semaphore_mem>>)
      %add3A_108 = arith.constant 1 : i32
      %add3A_109 = arith.addi %add3A_88, %add3A_108 : i32
      %mul3A_110 = arith.constant 40 : i32
      %mul3A_111 = arith.muli %add3A_109, %mul3A_110 : i32
      %add3A_112 = arith.addi %select_n3A, %mul3A_111 : i32
      %dma_wait3A_113 = arith.constant 0 : i32
      %dma_wait3A_114 = tpu.memref_slice %arg5[%dma_wait3A_113, %mul3A_0] : memref<1000x16384xf32, #tpu.memory_space<hbm>> -> memref<40x1024xf32, #tpu.memory_space<hbm>>
      %dma_wait3A_115 = arith.constant 0 : i32
      %dma_wait3A_116 = tpu.memref_slice %arg5[%dma_wait3A_115, %mul3A_0] : memref<1000x16384xf32, #tpu.memory_space<hbm>> -> memref<40x1024xf32, #tpu.memory_space<hbm>>
      tpu.wait_dma2 semaphore(%arg11 : memref<!tpu.dma_semaphore, #tpu.memory_space<semaphore_mem>>) src(%arg9 : memref<40x1024xf32, #tpu.memory_space<vmem>>) dst(%dma_wait3A_116 : memref<40x1024xf32, #tpu.memory_space<hbm>>)
      %sub3A_117 = arith.constant 80 : i32
      %sub3A_118 = arith.subi %add3A_112, %sub3A_117 : i32
      %scan3A_119 = arith.constant 0 : i32
      %scan3A_120 = arith.constant 0 : i32
      %scan3A_121 = arith.constant 64 : i32
      %scan3A_122 = arith.addi %scan3A_120, %scan3A_121 : i32
      %scan3A_123 = arith.constant 1 : i32
      scf.for %scan3A_127 = %scan3A_120 to %scan3A_122 step %scan3A_123  : i32 {
        %mul3A_128 = arith.constant 16 : i32
        %mul3A_129 = arith.muli %scan3A_127, %mul3A_128 : i32
        %get3A = arith.index_cast %mul3A_129 : i32 to index
        %get3A_130 = tpu.vector_load %arg6[%get3A] {strides = array<i32>} : memref<1024xi32, #tpu.memory_space<vmem>>, vector<16xi32>,
        %mul3A_131 = arith.constant 16 : i32
        %mul3A_132 = arith.muli %scan3A_127, %mul3A_131 : i32
        %add3A_133 = vector.broadcast %mul3A_132 : i32 to vector<16xi32>
        %add3A_134 = arith.addi %iota3A, %add3A_133 : vector<16xi32>
        %sub3A_135 = vector.broadcast %sub3A_118 : i32 to vector<16xi32>
        %sub3A_136 = arith.subi %get3A_130, %sub3A_135 : vector<16xi32>
        %ge3A = arith.constant 0 : i32
        %ge3A_137 = vector.broadcast %ge3A : i32 to vector<16xi32>
        %ge3A_138 = arith.cmpi sge, %sub3A_136, %ge3A_137 : vector<16xi32>
        %lt3A_139 = arith.constant 40 : i32
        %lt3A_140 = vector.broadcast %lt3A_139 : i32 to vector<16xi32>
        %lt3A_141 = arith.cmpi slt, %sub3A_136, %lt3A_140 : vector<16xi32>
        %and3A_142 = arith.andi %ge3A_138, %lt3A_141 : vector<16xi1>
        tpu.vector_store_idx %arg9[%sub3A_136, %add3A_134], %broadcast_in_dim3A_1 masked %and3A_142 : memref<40x1024xf32, #tpu.memory_space<vmem>>[vector<16xi32>, vector<16xi32>], vector<16xf32>, vector<16xi1>
        %sub3A_143 = vector.broadcast %add3A_112 : i32 to vector<16xi32>
        %sub3A_144 = arith.subi %get3A_130, %sub3A_143 : vector<16xi32>
        %ge3A_145 = arith.constant 0 : i32
        %ge3A_146 = vector.broadcast %ge3A_145 : i32 to vector<16xi32>
        %ge3A_147 = arith.cmpi sge, %sub3A_144, %ge3A_146 : vector<16xi32>
        %lt3A_148 = arith.constant 40 : i32
        %lt3A_149 = vector.broadcast %lt3A_148 : i32 to vector<16xi32>
        %lt3A_150 = arith.cmpi slt, %sub3A_144, %lt3A_149 : vector<16xi32>
        %and3A_151 = arith.andi %ge3A_147, %lt3A_150 : vector<16xi1>
        %mul3A_152 = arith.constant 16 : i32
        %mul3A_153 = arith.muli %scan3A_127, %mul3A_152 : i32
        %get3A_154 = arith.index_cast %mul3A_153 : i32 to index
        %get3A_155 = tpu.vector_load %arg7[%get3A_154] {strides = array<i32>} : memref<1024xf32, #tpu.memory_space<vmem>>, vector<16xf32>,
        tpu.vector_store_idx %arg9[%sub3A_144, %add3A_134], %get3A_155 masked %and3A_151 : memref<40x1024xf32, #tpu.memory_space<vmem>>[vector<16xi32>, vector<16xi32>], vector<16xf32>, vector<16xi1>
      }
      %scan3A_124 = arith.constant 64 : i32
      %dma_start3A_125 = tpu.memref_slice %arg5[%add3A_112, %mul3A_0] : memref<1000x16384xf32, #tpu.memory_space<hbm>> -> memref<40x1024xf32, #tpu.memory_space<hbm>>
      %dma_start3A_126 = tpu.memref_slice %arg5[%add3A_112, %mul3A_0] : memref<1000x16384xf32, #tpu.memory_space<hbm>> -> memref<40x1024xf32, #tpu.memory_space<hbm>>
      tpu.enqueue_dma source(%arg9 : memref<40x1024xf32, #tpu.memory_space<vmem>>) target(%dma_start3A_126 : memref<40x1024xf32, #tpu.memory_space<hbm>>) target_semaphore(%arg11 : memref<!tpu.dma_semaphore, #tpu.memory_space<semaphore_mem>>)
    }
    %while3A_58 = arith.constant 1 : i32
    scf.for %while3A_84 = %while3A_56 to %while3A_52 step %while3A_58  : i32 {
      %mul3A_85 = arith.constant 2 : i32
      %mul3A_86 = arith.muli %while3A_84, %mul3A_85 : i32
      %add3A_87 = arith.constant 2 : i32
      %add3A_88 = arith.addi %add3A_87, %mul3A_86 : i32
      %add3A_89 = arith.constant 0 : i32
      %add3A_90 = arith.addi %add3A_88, %add3A_89 : i32
      %mul3A_91 = arith.constant 40 : i32
      %mul3A_92 = arith.muli %add3A_90, %mul3A_91 : i32
      %add3A_93 = arith.addi %select_n3A, %mul3A_92 : i32
      %dma_wait3A_94 = arith.constant 0 : i32
      %dma_wait3A_95 = tpu.memref_slice %arg5[%dma_wait3A_94, %mul3A_0] : memref<1000x16384xf32, #tpu.memory_space<hbm>> -> memref<40x1024xf32, #tpu.memory_space<hbm>>
      %dma_wait3A_96 = arith.constant 0 : i32
      %dma_wait3A_97 = tpu.memref_slice %arg5[%dma_wait3A_96, %mul3A_0] : memref<1000x16384xf32, #tpu.memory_space<hbm>> -> memref<40x1024xf32, #tpu.memory_space<hbm>>
      tpu.wait_dma2 semaphore(%arg10 : memref<!tpu.dma_semaphore, #tpu.memory_space<semaphore_mem>>) src(%arg8 : memref<40x1024xf32, #tpu.memory_space<vmem>>) dst(%dma_wait3A_97 : memref<40x1024xf32, #tpu.memory_space<hbm>>)
      %sub3A_98 = arith.constant 80 : i32
      %sub3A_99 = arith.subi %add3A_93, %sub3A_98 : i32
      %scan3A_100 = arith.constant 0 : i32
      %scan3A_101 = arith.constant 0 : i32
      %scan3A_102 = arith.constant 64 : i32
      %scan3A_103 = arith.addi %scan3A_101, %scan3A_102 : i32
      %scan3A_104 = arith.constant 1 : i32
      scf.for %scan3A_127 = %scan3A_101 to %scan3A_103 step %scan3A_104  : i32 {
        %mul3A_128 = arith.constant 16 : i32
        %mul3A_129 = arith.muli %scan3A_127, %mul3A_128 : i32
        %get3A = arith.index_cast %mul3A_129 : i32 to index
        %get3A_130 = tpu.vector_load %arg6[%get3A] {strides = array<i32>} : memref<1024xi32, #tpu.memory_space<vmem>>, vector<16xi32>,
        %mul3A_131 = arith.constant 16 : i32
        %mul3A_132 = arith.muli %scan3A_127, %mul3A_131 : i32
        %add3A_133 = vector.broadcast %mul3A_132 : i32 to vector<16xi32>
        %add3A_134 = arith.addi %iota3A, %add3A_133 : vector<16xi32>
        %sub3A_135 = vector.broadcast %sub3A_99 : i32 to vector<16xi32>
        %sub3A_136 = arith.subi %get3A_130, %sub3A_135 : vector<16xi32>
        %ge3A = arith.constant 0 : i32
        %ge3A_137 = vector.broadcast %ge3A : i32 to vector<16xi32>
        %ge3A_138 = arith.cmpi sge, %sub3A_136, %ge3A_137 : vector<16xi32>
        %lt3A_139 = arith.constant 40 : i32
        %lt3A_140 = vector.broadcast %lt3A_139 : i32 to vector<16xi32>
        %lt3A_141 = arith.cmpi slt, %sub3A_136, %lt3A_140 : vector<16xi32>
        %and3A_142 = arith.andi %ge3A_138, %lt3A_141 : vector<16xi1>
        tpu.vector_store_idx %arg8[%sub3A_136, %add3A_134], %broadcast_in_dim3A_1 masked %and3A_142 : memref<40x1024xf32, #tpu.memory_space<vmem>>[vector<16xi32>, vector<16xi32>], vector<16xf32>, vector<16xi1>
        %sub3A_143 = vector.broadcast %add3A_93 : i32 to vector<16xi32>
        %sub3A_144 = arith.subi %get3A_130, %sub3A_143 : vector<16xi32>
        %ge3A_145 = arith.constant 0 : i32
        %ge3A_146 = vector.broadcast %ge3A_145 : i32 to vector<16xi32>
        %ge3A_147 = arith.cmpi sge, %sub3A_144, %ge3A_146 : vector<16xi32>
        %lt3A_148 = arith.constant 40 : i32
        %lt3A_149 = vector.broadcast %lt3A_148 : i32 to vector<16xi32>
        %lt3A_150 = arith.cmpi slt, %sub3A_144, %lt3A_149 : vector<16xi32>
        %and3A_151 = arith.andi %ge3A_147, %lt3A_150 : vector<16xi1>
        %mul3A_152 = arith.constant 16 : i32
        %mul3A_153 = arith.muli %scan3A_127, %mul3A_152 : i32
        %get3A_154 = arith.index_cast %mul3A_153 : i32 to index
        %get3A_155 = tpu.vector_load %arg7[%get3A_154] {strides = array<i32>} : memref<1024xf32, #tpu.memory_space<vmem>>, vector<16xf32>,
        tpu.vector_store_idx %arg8[%sub3A_144, %add3A_134], %get3A_155 masked %and3A_151 : memref<40x1024xf32, #tpu.memory_space<vmem>>[vector<16xi32>, vector<16xi32>], vector<16xf32>, vector<16xi1>
      }
      %scan3A_105 = arith.constant 64 : i32
      %dma_start3A_106 = tpu.memref_slice %arg5[%add3A_93, %mul3A_0] : memref<1000x16384xf32, #tpu.memory_space<hbm>> -> memref<40x1024xf32, #tpu.memory_space<hbm>>
      %dma_start3A_107 = tpu.memref_slice %arg5[%add3A_93, %mul3A_0] : memref<1000x16384xf32, #tpu.memory_space<hbm>> -> memref<40x1024xf32, #tpu.memory_space<hbm>>
      tpu.enqueue_dma source(%arg8 : memref<40x1024xf32, #tpu.memory_space<vmem>>) target(%dma_start3A_107 : memref<40x1024xf32, #tpu.memory_space<hbm>>) target_semaphore(%arg10 : memref<!tpu.dma_semaphore, #tpu.memory_space<semaphore_mem>>)
      %add3A_108 = arith.constant 1 : i32
      %add3A_109 = arith.addi %add3A_88, %add3A_108 : i32
      %mul3A_110 = arith.constant 40 : i32
      %mul3A_111 = arith.muli %add3A_109, %mul3A_110 : i32
      %add3A_112 = arith.addi %select_n3A, %mul3A_111 : i32
      %dma_wait3A_113 = arith.constant 0 : i32
      %dma_wait3A_114 = tpu.memref_slice %arg5[%dma_wait3A_113, %mul3A_0] : memref<1000x16384xf32, #tpu.memory_space<hbm>> -> memref<40x1024xf32, #tpu.memory_space<hbm>>
      %dma_wait3A_115 = arith.constant 0 : i32
      %dma_wait3A_116 = tpu.memref_slice %arg5[%dma_wait3A_115, %mul3A_0] : memref<1000x16384xf32, #tpu.memory_space<hbm>> -> memref<40x1024xf32, #tpu.memory_space<hbm>>
      tpu.wait_dma2 semaphore(%arg11 : memref<!tpu.dma_semaphore, #tpu.memory_space<semaphore_mem>>) src(%arg9 : memref<40x1024xf32, #tpu.memory_space<vmem>>) dst(%dma_wait3A_116 : memref<40x1024xf32, #tpu.memory_space<hbm>>)
      %sub3A_117 = arith.constant 80 : i32
      %sub3A_118 = arith.subi %add3A_112, %sub3A_117 : i32
      %scan3A_119 = arith.constant 0 : i32
      %scan3A_120 = arith.constant 0 : i32
      %scan3A_121 = arith.constant 64 : i32
      %scan3A_122 = arith.addi %scan3A_120, %scan3A_121 : i32
      %scan3A_123 = arith.constant 1 : i32
      scf.for %scan3A_127 = %scan3A_120 to %scan3A_122 step %scan3A_123  : i32 {
        %mul3A_128 = arith.constant 16 : i32
        %mul3A_129 = arith.muli %scan3A_127, %mul3A_128 : i32
        %get3A = arith.index_cast %mul3A_129 : i32 to index
        %get3A_130 = tpu.vector_load %arg6[%get3A] {strides = array<i32>} : memref<1024xi32, #tpu.memory_space<vmem>>, vector<16xi32>,
        %mul3A_131 = arith.constant 16 : i32
        %mul3A_132 = arith.muli %scan3A_127, %mul3A_131 : i32
        %add3A_133 = vector.broadcast %mul3A_132 : i32 to vector<16xi32>
        %add3A_134 = arith.addi %iota3A, %add3A_133 : vector<16xi32>
        %sub3A_135 = vector.broadcast %sub3A_118 : i32 to vector<16xi32>
        %sub3A_136 = arith.subi %get3A_130, %sub3A_135 : vector<16xi32>
        %ge3A = arith.constant 0 : i32
        %ge3A_137 = vector.broadcast %ge3A : i32 to vector<16xi32>
        %ge3A_138 = arith.cmpi sge, %sub3A_136, %ge3A_137 : vector<16xi32>
        %lt3A_139 = arith.constant 40 : i32
        %lt3A_140 = vector.broadcast %lt3A_139 : i32 to vector<16xi32>
        %lt3A_141 = arith.cmpi slt, %sub3A_136, %lt3A_140 : vector<16xi32>
        %and3A_142 = arith.andi %ge3A_138, %lt3A_141 : vector<16xi1>
        tpu.vector_store_idx %arg9[%sub3A_136, %add3A_134], %broadcast_in_dim3A_1 masked %and3A_142 : memref<40x1024xf32, #tpu.memory_space<vmem>>[vector<16xi32>, vector<16xi32>], vector<16xf32>, vector<16xi1>
        %sub3A_143 = vector.broadcast %add3A_112 : i32 to vector<16xi32>
        %sub3A_144 = arith.subi %get3A_130, %sub3A_143 : vector<16xi32>
        %ge3A_145 = arith.constant 0 : i32
        %ge3A_146 = vector.broadcast %ge3A_145 : i32 to vector<16xi32>
        %ge3A_147 = arith.cmpi sge, %sub3A_144, %ge3A_146 : vector<16xi32>
        %lt3A_148 = arith.constant 40 : i32
        %lt3A_149 = vector.broadcast %lt3A_148 : i32 to vector<16xi32>
        %lt3A_150 = arith.cmpi slt, %sub3A_144, %lt3A_149 : vector<16xi32>
        %and3A_151 = arith.andi %ge3A_147, %lt3A_150 : vector<16xi1>
        %mul3A_152 = arith.constant 16 : i32
        %mul3A_153 = arith.muli %scan3A_127, %mul3A_152 : i32
        %get3A_154 = arith.index_cast %mul3A_153 : i32 to index
        %get3A_155 = tpu.vector_load %arg7[%get3A_154] {strides = array<i32>} : memref<1024xf32, #tpu.memory_space<vmem>>, vector<16xf32>,
        tpu.vector_store_idx %arg9[%sub3A_144, %add3A_134], %get3A_155 masked %and3A_151 : memref<40x1024xf32, #tpu.memory_space<vmem>>[vector<16xi32>, vector<16xi32>], vector<16xf32>, vector<16xi1>
      }
      %scan3A_124 = arith.constant 64 : i32
      %dma_start3A_125 = tpu.memref_slice %arg5[%add3A_112, %mul3A_0] : memref<1000x16384xf32, #tpu.memory_space<hbm>> -> memref<40x1024xf32, #tpu.memory_space<hbm>>
      %dma_start3A_126 = tpu.memref_slice %arg5[%add3A_112, %mul3A_0] : memref<1000x16384xf32, #tpu.memory_space<hbm>> -> memref<40x1024xf32, #tpu.memory_space<hbm>>
      tpu.enqueue_dma source(%arg9 : memref<40x1024xf32, #tpu.memory_space<vmem>>) target(%dma_start3A_126 : memref<40x1024xf32, #tpu.memory_space<hbm>>) target_semaphore(%arg11 : memref<!tpu.dma_semaphore, #tpu.memory_space<semaphore_mem>>)
    }
    %jit3A_59 = arith.constant 2 : i32
    %eq3A_60 = arith.constant 0 : i32
    %eq3A_61 = arith.cmpi eq, %jit3A_59, %eq3A_60 : i32
    %jit3A_62 = arith.constant 1 : i32
    %select_n3A_63 = arith.select %eq3A_61, %jit3A_62, %jit3A_59 : i32
    %rem3A_64 = arith.remsi %select_n3A_8, %select_n3A_63 : i32
    %ne3A_65 = arith.constant 0 : i32
    %ne3A_66 = arith.cmpi ne, %rem3A_64, %ne3A_65 : i32
    %lt3A = arith.constant 0 : i32
    %lt3A_67 = arith.cmpi slt, %rem3A_64, %lt3A : i32
    %lt3A_68 = arith.constant 0 : i32
    %lt3A_69 = arith.cmpi slt, %select_n3A_63, %lt3A_68 : i32
    %ne3A_70 = arith.xori %lt3A_67, %lt3A_69 : i1
    %and3A_71 = arith.andi %ne3A_70, %ne3A_66 : i1
    %add3A_72 = arith.addi %rem3A_64, %select_n3A_63 : i32
    %select_n3A_73 = arith.select %and3A_71, %add3A_72, %rem3A_64 : i32
    %eq3A_74 = arith.constant 1 : i32
    %eq3A_75 = arith.cmpi eq, %select_n3A_73, %eq3A_74 : i32
    %convert_element_type3A = arith.extui %eq3A_75 : i1 to i32
    %cond3A = arith.constant 0 : i32
    %cond3A_76 = arith.cmpi ne, %convert_element_type3A, %cond3A : i32
    scf.if %cond3A_76 {
      %sub3A_84 = arith.constant 1 : i32
      %sub3A_85 = arith.subi %select_n3A_8, %sub3A_84 : i32
      %mul3A_86 = arith.constant 40 : i32
      %mul3A_87 = arith.muli %sub3A_85, %mul3A_86 : i32
      %add3A_88 = arith.addi %select_n3A, %mul3A_87 : i32
      %dma_wait3A_89 = arith.constant 0 : i32
      %dma_wait3A_90 = tpu.memref_slice %arg5[%dma_wait3A_89, %mul3A_0] : memref<1000x16384xf32, #tpu.memory_space<hbm>> -> memref<40x1024xf32, #tpu.memory_space<hbm>>
      %dma_wait3A_91 = arith.constant 0 : i32
      %dma_wait3A_92 = tpu.memref_slice %arg5[%dma_wait3A_91, %mul3A_0] : memref<1000x16384xf32, #tpu.memory_space<hbm>> -> memref<40x1024xf32, #tpu.memory_space<hbm>>
      tpu.wait_dma2 semaphore(%arg10 : memref<!tpu.dma_semaphore, #tpu.memory_space<semaphore_mem>>) src(%arg8 : memref<40x1024xf32, #tpu.memory_space<vmem>>) dst(%dma_wait3A_92 : memref<40x1024xf32, #tpu.memory_space<hbm>>)
      %sub3A_93 = arith.constant 80 : i32
      %sub3A_94 = arith.subi %add3A_88, %sub3A_93 : i32
      %scan3A_95 = arith.constant 0 : i32
      %scan3A_96 = arith.constant 0 : i32
      %scan3A_97 = arith.constant 64 : i32
      %scan3A_98 = arith.addi %scan3A_96, %scan3A_97 : i32
      %scan3A_99 = arith.constant 1 : i32
      scf.for %scan3A_103 = %scan3A_96 to %scan3A_98 step %scan3A_99  : i32 {
        %mul3A_104 = arith.constant 16 : i32
        %mul3A_105 = arith.muli %scan3A_103, %mul3A_104 : i32
        %get3A = arith.index_cast %mul3A_105 : i32 to index
        %get3A_106 = tpu.vector_load %arg6[%get3A] {strides = array<i32>} : memref<1024xi32, #tpu.memory_space<vmem>>, vector<16xi32>,
        %mul3A_107 = arith.constant 16 : i32
        %mul3A_108 = arith.muli %scan3A_103, %mul3A_107 : i32
        %add3A_109 = vector.broadcast %mul3A_108 : i32 to vector<16xi32>
        %add3A_110 = arith.addi %iota3A, %add3A_109 : vector<16xi32>
        %sub3A_111 = vector.broadcast %sub3A_94 : i32 to vector<16xi32>
        %sub3A_112 = arith.subi %get3A_106, %sub3A_111 : vector<16xi32>
        %ge3A = arith.constant 0 : i32
        %ge3A_113 = vector.broadcast %ge3A : i32 to vector<16xi32>
        %ge3A_114 = arith.cmpi sge, %sub3A_112, %ge3A_113 : vector<16xi32>
        %lt3A_115 = arith.constant 40 : i32
        %lt3A_116 = vector.broadcast %lt3A_115 : i32 to vector<16xi32>
        %lt3A_117 = arith.cmpi slt, %sub3A_112, %lt3A_116 : vector<16xi32>
        %and3A_118 = arith.andi %ge3A_114, %lt3A_117 : vector<16xi1>
        tpu.vector_store_idx %arg8[%sub3A_112, %add3A_110], %broadcast_in_dim3A_1 masked %and3A_118 : memref<40x1024xf32, #tpu.memory_space<vmem>>[vector<16xi32>, vector<16xi32>], vector<16xf32>, vector<16xi1>
        %sub3A_119 = vector.broadcast %add3A_88 : i32 to vector<16xi32>
        %sub3A_120 = arith.subi %get3A_106, %sub3A_119 : vector<16xi32>
        %ge3A_121 = arith.constant 0 : i32
        %ge3A_122 = vector.broadcast %ge3A_121 : i32 to vector<16xi32>
        %ge3A_123 = arith.cmpi sge, %sub3A_120, %ge3A_122 : vector<16xi32>
        %lt3A_124 = arith.constant 40 : i32
        %lt3A_125 = vector.broadcast %lt3A_124 : i32 to vector<16xi32>
        %lt3A_126 = arith.cmpi slt, %sub3A_120, %lt3A_125 : vector<16xi32>
        %and3A_127 = arith.andi %ge3A_123, %lt3A_126 : vector<16xi1>
        %mul3A_128 = arith.constant 16 : i32
        %mul3A_129 = arith.muli %scan3A_103, %mul3A_128 : i32
        %get3A_130 = arith.index_cast %mul3A_129 : i32 to index
        %get3A_131 = tpu.vector_load %arg7[%get3A_130] {strides = array<i32>} : memref<1024xf32, #tpu.memory_space<vmem>>, vector<16xf32>,
        tpu.vector_store_idx %arg8[%sub3A_120, %add3A_110], %get3A_131 masked %and3A_127 : memref<40x1024xf32, #tpu.memory_space<vmem>>[vector<16xi32>, vector<16xi32>], vector<16xf32>, vector<16xi1>
      }
      %scan3A_100 = arith.constant 64 : i32
      %dma_start3A_101 = tpu.memref_slice %arg5[%add3A_88, %mul3A_0] : memref<1000x16384xf32, #tpu.memory_space<hbm>> -> memref<40x1024xf32, #tpu.memory_space<hbm>>
      %dma_start3A_102 = tpu.memref_slice %arg5[%add3A_88, %mul3A_0] : memref<1000x16384xf32, #tpu.memory_space<hbm>> -> memref<40x1024xf32, #tpu.memory_space<hbm>>
      tpu.enqueue_dma source(%arg8 : memref<40x1024xf32, #tpu.memory_space<vmem>>) target(%dma_start3A_102 : memref<40x1024xf32, #tpu.memory_space<hbm>>) target_semaphore(%arg10 : memref<!tpu.dma_semaphore, #tpu.memory_space<semaphore_mem>>)
    } else {
    }
    %dma_wait3A = arith.constant 0 : i32
    %dma_wait3A_77 = tpu.memref_slice %arg5[%dma_wait3A, %mul3A_0] : memref<1000x16384xf32, #tpu.memory_space<hbm>> -> memref<40x1024xf32, #tpu.memory_space<hbm>>
    %dma_wait3A_78 = arith.constant 0 : i32
    %dma_wait3A_79 = tpu.memref_slice %arg5[%dma_wait3A_78, %mul3A_0] : memref<1000x16384xf32, #tpu.memory_space<hbm>> -> memref<40x1024xf32, #tpu.memory_space<hbm>>
    tpu.wait_dma2 semaphore(%arg11 : memref<!tpu.dma_semaphore, #tpu.memory_space<semaphore_mem>>) src(%arg9 : memref<40x1024xf32, #tpu.memory_space<vmem>>) dst(%dma_wait3A_79 : memref<40x1024xf32, #tpu.memory_space<hbm>>)
    %dma_wait3A_80 = arith.constant 0 : i32
    %dma_wait3A_81 = tpu.memref_slice %arg5[%dma_wait3A_80, %mul3A_0] : memref<1000x16384xf32, #tpu.memory_space<hbm>> -> memref<40x1024xf32, #tpu.memory_space<hbm>>
    %dma_wait3A_82 = arith.constant 0 : i32
    %dma_wait3A_83 = tpu.memref_slice %arg5[%dma_wait3A_82, %mul3A_0] : memref<1000x16384xf32, #tpu.memory_space<hbm>> -> memref<40x1024xf32, #tpu.memory_space<hbm>>
    tpu.wait_dma2 semaphore(%arg10 : memref<!tpu.dma_semaphore, #tpu.memory_space<semaphore_mem>>) src(%arg8 : memref<40x1024xf32, #tpu.memory_space<vmem>>) dst(%dma_wait3A_83 : memref<40x1024xf32, #tpu.memory_space<hbm>>)
    return
  }
}

</mosaic_0001>

<sc_bundles>
// kernel: kernel.3.cloned.1.call-start
scs
__scs_entry_jumppad:
0x0: {  	(pc) =	sbr.rel $0x88, $3  }
0x1: {  	(tag) =	ssettag $0x0;
	lr =	simm.s32 $0x1  }
0x2: {  	[smem:$0x3F9F] =	sst lr;
	_ =	strace $0xD0000000  }
0x3: {  	_ = 	snop  }
0x4: {  	_ = 	snop  }
0x5: {  	_ = 	snop  }
0x6: {  	_ = 	snop  }
0x7: {  	_ = 	snop  }
__scs_overlays_trampoline_lowered:
0x8: {  	[smem:$0x3FAE] =	sst s0  }
0x9: {  	[smem:$0x3FAF] =	sst s1  }
0xa: {  	[smem:$0x3FB0] =	sst s2  }
0xb: {  	[smem:$0x3FB1] =	sst s3  }
0xc: {  	[smem:$0x3FB2] =	sst s4  }
0xd: {  	[smem:$0x3FB3] =	sst s5  }
0xe: {  	[smem:$0x3FB4] =	sst s6  }
0xf: {  	[smem:$0x3FB5] =	sst s7  }
0x10: {  	[smem:$0x3FB6] =	sst s8  }
0x11: {  	[smem:$0x3FB7] =	sst s9;
	s0 =	simm.s32 @!p0 $0x0  }
0x12: {  	s1 =	sld [smem:$0x3F9D];
	s0 =	simm.s32 @p0 $0x1  }
0x13: {  	[smem:$0x3FB8] =	sst s0;
	s0 =	simm.s32 @!p1 $0x0  }
0x14: {  	s2 =	sld [smem:$0x3F9C];
	s0 =	simm.s32 @p1 $0x1  }
0x15: {  	[smem:$0x3FB9] =	sst s0;
	s0 =	simm.s32 @!p2 $0x0  }
0x16: {  	s3 =	sld [smem:$0x3FDB];
	s0 =	simm.s32 @p2 $0x1  }
0x17: {  	s4 =	simm.s32 $0x1BF5;
	[smem:$0x3FBB] =	sst s0  }
0x18: {  	s0 =	sld [smem:$0x3F9E];
	_ =	swait.ge [sflag:s4], $0x0  }
0x19: {  	s7 =	sld [smem:$0x3F9F]  }
0x1a: {  	s8 =	sadd.s32 $0xFFFFE003, lr  }
0x1b: {  	s9 =	sadd.s32 $0xFFFFFEF7, lr;
	s5 =	simm.s32 $0xFFFFFFFF;
	p2 =	slt.u32 s8, $0xFFFFF086  }
0x1c: {  	p1 =	slt.u32 s9, $0xF7A;
	s5 =	simm.s32 @!p2 $0x0  }
0x1d: {  	s5 =	simm.s32 @p1 $0x1;
	p0 =	seq.s32 s7, s2  }
0x1e: {  	s7 =	smul.u32 @!p0 $0xF7A, s2;
	p2 =	seq.s32 @!p0 s5, $0x0  }
0x1f: {  	s9 =	smul.u32 $0xF7A, s1;
	s8 =	simm.s32 @!p0 $0x1BF5;
	p2 =	por !p2, p0  }
0x20: {  	[sflag:s8] =	ssyncset.s32 @!p0 $0xFFFFF086;
	s6 =	sadd.s32 @!p0 s3, s7;
	s7 =	simm.s32 @!p0 $0x108  }
0x21: {  	s3 =	sadd.s32 s3, s9;
	s6 =	sadd.s32 @!p0 $0x88, s6;
	s7 =	simm.s32 @p2 $0x1082  }
0x22: {  	[simem:s7], [sflag:s8] =	dma.local @!p0 [hbm:s6], $0xF7A  }
0x23: {  	s9 =	sor.u32 $0xD0000000, s2;
	s6 =	simm.s32 $0x108;
	_ =	swait.ge @!p0 [sflag:s8], $0x0  }
0x24: {  	s3 =	sadd.s32 $0x88, s3;
	s6 =	simm.s32 @!p1 $0x1082;
	[sflag:s4] =	ssyncset.s32 $0xFFFFF086  }
0x25: {  	[simem:s6], [sflag:s4] =	dma.local [hbm:s3], $0xF7A  }
0x26: {  	[smem:$0x3F9F] =	sst s1;
	(tag) =	ssettag s2;
	_ =	strace s9  }
0x27: {  	s1 =	sld [smem:$0x3FAF]  }
0x28: {  	s2 =	sld [smem:$0x3FB0]  }
0x29: {  	s4 =	sld [smem:$0x3FB2]  }
0x2a: {  	p0 =	seq.s32 s5, $0x0;
	s5 =	sld [smem:$0x3FB3]  }
0x2b: {  	s6 =	sld [smem:$0x3FB4]  }
0x2c: {  	s7 =	sld [smem:$0x3FB5]  }
0x2d: {  	s3 =	simm.s32 $0x108;
	s8 =	sld [smem:$0x3FB6]  }
0x2e: {  	s3 =	simm.s32 @!p0 $0x1082;
	s9 =	sld [smem:$0x3FB7]  }
0x2f: {  	lr =	sadd.s32 s0, s3;
	s0 =	sld [smem:$0x3FAE]  }
0x30: {  	s3 =	sld [smem:$0x3FB1]  }
0x31: {  	[smem:$0x3FBA] =	sst s10  }
0x32: {  	s10 =	sld [smem:$0x3FB8];
	_ =	sdelay $0x3  }
0x33: {  	p0 =	seq.s32 s10, $0x1;
	s10 =	sld [smem:$0x3FBA];
	_ =	sdelay $0x3  }
0x34: {  	[smem:$0x3FBA] =	sst s10  }
0x35: {  	s10 =	sld [smem:$0x3FB9];
	_ =	sdelay $0x3  }
0x36: {  	p1 =	seq.s32 s10, $0x1;
	s10 =	sld [smem:$0x3FBA];
	_ =	sdelay $0x3  }
0x37: {  	[smem:$0x3FBA] =	sst s10  }
0x38: {  	s10 =	sld [smem:$0x3FBB]  }
0x39: {  	_ = 	snop;
	(pc) =	sbr.ind lr, $3  }
0x3a: {  	_ = 	snop  }
0x3b: {  	_ = 	snop  }
0x3c: {  	p2 =	seq.s32 s10, $0x1;
	s10 =	sld [smem:$0x3FBA]  }
0x3d: {  	_ =	shalt  }
0x3e: {  	_ =	shalt  }
0x3f: {  	_ =	shalt  }
0x40: {  	_ =	shalt  }
0x41: {  	_ =	shalt  }
0x42: {  	_ =	shalt  }
0x43: {  	_ =	shalt  }
0x44: {  	_ =	shalt  }
0x45: {  	_ =	shalt  }
0x46: {  	_ =	shalt  }
0x47: {  	_ =	shalt  }
0x48: {  	_ =	shalt  }
0x49: {  	_ =	shalt  }
0x4a: {  	_ =	shalt  }
0x4b: {  	_ =	shalt  }
0x4c: {  	_ =	shalt  }
0x4d: {  	_ =	shalt  }
0x4e: {  	_ =	shalt  }
0x4f: {  	_ =	shalt  }
0x50: {  	_ =	shalt  }
0x51: {  	_ =	shalt  }
0x52: {  	_ =	shalt  }
0x53: {  	_ =	shalt  }
0x54: {  	_ =	shalt  }
0x55: {  	_ =	shalt  }
0x56: {  	_ =	shalt  }
0x57: {  	_ =	shalt  }
0x58: {  	_ =	shalt  }
0x59: {  	_ =	shalt  }
0x5a: {  	_ =	shalt  }
0x5b: {  	_ =	shalt  }
0x5c: {  	_ =	shalt  }
0x5d: {  	_ =	shalt  }
0x5e: {  	_ =	shalt  }
0x5f: {  	_ =	shalt  }
0x60: {  	_ =	shalt  }
0x61: {  	_ =	shalt  }
0x62: {  	_ =	shalt  }
0x63: {  	_ =	shalt  }
0x64: {  	_ =	shalt  }
0x65: {  	_ =	shalt  }
0x66: {  	_ =	shalt  }
0x67: {  	_ =	shalt  }
0x68: {  	_ =	shalt  }
0x69: {  	_ =	shalt  }
0x6a: {  	_ =	shalt  }
0x6b: {  	_ =	shalt  }
0x6c: {  	_ =	shalt  }
0x6d: {  	_ =	shalt  }
0x6e: {  	_ =	shalt  }
0x6f: {  	_ =	shalt  }
0x70: {  	_ =	shalt  }
0x71: {  	_ =	shalt  }
0x72: {  	_ =	shalt  }
0x73: {  	_ =	shalt  }
0x74: {  	_ =	shalt  }
0x75: {  	_ =	shalt  }
0x76: {  	_ =	shalt  }
0x77: {  	_ =	shalt  }
0x78: {  	_ =	shalt  }
0x79: {  	_ =	shalt  }
0x7a: {  	_ =	shalt  }
0x7b: {  	_ =	shalt  }
0x7c: {  	_ =	shalt  }
0x7d: {  	_ =	shalt  }
0x7e: {  	_ =	shalt  }
0x7f: {  	_ =	shalt  }
0x80: {  	_ =	shalt  }
0x81: {  	_ =	shalt  }
0x82: {  	_ =	shalt  }
0x83: {  	_ =	shalt  }
0x84: {  	_ =	shalt  }
0x85: {  	_ =	shalt  }
0x86: {  	_ =	shalt  }
0x87: {  	_ =	shalt  }
.Lfunc_end0:
.L_simem_size_0:
called_computation_lowered:
.L_overlay_start_0:
0x88: {  	s2 =	sld [smem:$0x3FD9]  }
0x89: {  	s3 =	sld [smem:$0x3FFE];
	_ =	sdelay $0x1  }
0x8a: {  	s1 =	srdreg.scid  }
0x8b: {  	s0 =	sand.u32 $0x1, s1  }
0x8c: {  	s17 =	sshll.u32 s0, $0xA;
	s2 =	sadd.s32 s3, s2  }
0x8d: {  	s2 =	sadd.s32 s2, s17  }
0x8e: {  	[smem:$0x3FC6] =	sst s2  }
0x8f: {  	_ = 	snop  }
0x90: {  	s2 =	sld [smem:$0x3FC9]  }
0x91: {  	s18 =	sld [smem:$0x3FC8]  }
0x92: {  	s4 =	sld [smem:$0x3FD0];
	(tm) =	ssettm $0x1  }
0x93: {  	s5 =	sld [smem:$0x3FFB];
	_ =	sdelay $0x3  }
0x94: {  	_ =	strace s5  }
0x95: {  	s5 =	sld [smem:$0x3FFC];
	_ =	sdelay $0x3  }
0x96: {  	_ =	strace s5  }
0x97: {  	s5 =	sld [smem:$0x3FFD];
	_ =	sdelay $0x3  }
0x98: {  	_ =	strace s5  }
0x99: {  	_ =	strace $0x8FFFFFFF  }
0x9a: {  	s19 =	sld [smem:$0x3FDB];
	_ =	sdelay $0x1  }
0x9b: {  	s6 =	simm.s32 $_scs_section_size  }
0x9c: {  	s7 =	simm.s32 $_size__tile_overlayer_lowered;
	s8 =	simm.s32 $_tile_overlayer_lowered  }
0x9d: {  	s22 =	simm.s32 $0x1BFF;
	s21 =	sshll.u32 s8, $0x1;
	s5 =	sadd.s32 s6, s19  }
0x9e: {  	s9 =	simm.s32 $0x0;
	s20 =	sshll.u32 s7, $0x1;
	s7 =	sadd.s32 s21, s5  }
0x9f: {  	[timem:s9], [sflag:s22] =	dma.local [hbm:s7], s20  }
0xa0: {  	_ =	swait.ge [sflag:s22], s20  }
0xa1: {  	s6 =	ssub.s32 $0x0, s20;
	[sflag:s22] =	ssyncset.done $0x0  }
0xa2: {  	[sflag:s22] =	ssyncadd.s32 s6;
	_ =	sdelay $0x1  }
0xa3: {  	s23 =	simm.s32 $0x1B8B  }
0xa4: {  	_ =	swait.ge [sflag:s23], $0x1  }
0xa5: {  	[sflag:s23] =	ssyncset.done $0x0  }
0xa6: {  	s25 =	simm.s32 $0x1B8E;
	s24 =	sld [smem:$0x3FFE];
	[sflag:s23] =	ssyncadd.s32 $0xFFFFFFFF  }
0xa7: {  	s26 =	simm.s32 $execute0_lowered;
	[smem:$0x3FD2] =	sst s25  }
0xa8: {  	s7 =	sshll.u32 s26, $0x1;
	_ =	strace $0x80000046;
	[dreg:$0x1] =	wrdreg $0xFFFFFFFF  }
0xa9: {  	s28 =	simm.s32 $_size_execute0_lowered;
	s5 =	sadd.s32 s5, s7;
	[dreg:$0x0] =	wrdreg $0x0  }
0xaa: {  	s7 =	sshll.u32 s28, $0x1;
	[dreg:$0x2] =	wrdreg s5  }
0xab: {  	[dreg:$0x3] =	wrdreg s7  }
0xac: {  	[dreg:$0x4] =	wrdreg $0xC0  }
0xad: {  	_ =	task [dreg:s9], $0x5FFFF  }
0xae: {  	[dreg:$0x1] =	wrdreg $0xFFFFFFFF  }
0xaf: {  	[dreg:$0x0] =	wrdreg $0x60  }
0xb0: {  	[dreg:$0x2] =	wrdreg s2  }
0xb1: {  	[dreg:$0x3] =	wrdreg s18  }
0xb2: {  	[dreg:$0x4] =	wrdreg s24  }
0xb3: {  	[dreg:$0x5] =	wrdreg s4  }
0xb4: {  	[dreg:$0x6] =	wrdreg $0x9  }
0xb5: {  	_ =	task.clear_ibuf [dreg:s9], $0x7FFFF;
	_ =	strace $0x90000046  }
0xb6: {  	s29 =	simm.s32 $0x9;
	_ =	strace $0x80000048  }
0xb7: {  	_ =	swait.ge [sflag:s29], $0x1  }
0xb8: {  	[sflag:s29] =	ssyncadd.s32 $0xFFFFFFFF  }
0xb9: {  	_ =	strace $0x90000048  }
0xba: {  	_ =	sfence  }
0xbb: {  	s30 =	sld [smem:$0x0];
	_ =	sdelay $0x2  }
0xbc: {  	s31 =	sshll.u32 s1, $0xD;
	s1 =	sshrl.u32 s1, $0x2  }
0xbd: {  	s3 =	sand.u32 $0x4000, s31;
	s1 =	sadd.s32 s1, s30  }
0xbe: {  	s0 =	sor.u32 s3, s0;
	s1 =	sshll.u32 s1, $0x11  }
0xbf: {  	s0 =	sor.u32 s1, s0  }
0xc0: {  	s0 =	sadd.s32 $0x8F2B, s0  }
0xc1: {  	[sflag:s0] =	ssyncadd.remote.s32 $0x1  }
0xc2: {  	_ =	sfence.sel $0xFFFF  }
0xc3: {  	[dreg:$0x0] =	wrdreg $0xFFFFFFFF;
	(pc) =	sbr.abs _section_cstart, $3  }
0xc4: {  	[dreg:$0x1] =	wrdreg $0xFFFFFFFF  }
0xc5: {  	_ =	task.clear_ibuf [dreg:s9], $0x2FFFF;
	_ =	strace $0x9FFFFFFF  }
0xc6: {  	(tm) =	ssettm $0x7FFFFFFF  }
0xc7: {  	_ =	shalt  }
tec
execute0_lowered:
.L_overlay_start_1:
0x0: {  	(tag) =	ssettag $0x1  }
0x1: {  	s0 =	rddreg [dreg:$0x0]  }
0x2: {  	s8 =	rddreg [dreg:$0x1]  }
0x3: {  	s3 =	rddreg [dreg:$0x2]  }
0x4: {  	s1 =	rddreg [dreg:$0x3];
	s2 =	simm.s32 $0x0  }
0x5: {  	s4 =	srdreg.scid;
	s14 =	simm.s32 $0xB;
	s17 =	simm.s32 $0x800  }
0x6: {  	s18 =	simm.s32 $0xA800;
	s21 =	simm.s32 $0x1;
	[smem:$0x7FF] =	sst s2  }
0x7: {  	s6 =	sand.u32 $0x1, s4;
	s4 =	sadd.s32 $0x400, s3;
	s3 =	stileid.u32  }
0x8: {  	_ =	strace $0x80000047;
	s5 =	ssub.s32 $0x2, s6;
	s9 =	ssub.s32 $0x0, s6  }
0x9: {  	s10 =	sshll.u32 s3, $0x7;
	p0 =	seq.s32 s6, $0x0;
	s7 =	sshrl.u32 s5, $0x1  }
0xa: {  	s6 =	sadd.s32 s0, s10;
	s14 =	simm.s32 @!p0 $0xE;
	s8 =	sadd.s32 s8, s10  }
0xb: {  	s15 =	ssub.s32 s5, s7;
	s5 =	sshll.u32 s3, $0xD;
	s7 =	sand.u32 $0x1B8, s9  }
0xc: {  	s26 =	smul.u32 $0x28, s14;
	s30 =	sadd.s32 $0xFFFFFFFE, s14;
	s23 =	sand.u32 $0x1, s14  }
0xd: {  	s25 =	sshll.u32 s7, $0xE;
	s19 =	sadd.s32 $0x28, s7;
	s11 =	sshrl.u32 s30, $0x1  }
0xe: {  	s12 =	sadd.s32 $0x50, s7;
	s15 =	smax.u32 s15, $0x1;
	p0 =	seq.s32 s23, $0x0  }
0xf: {  	s23 =	simm.s32 $0x0;
	s0 =	sor.u32 s5, s25;
	s28 =	sshll.u32 s19, $0xE  }
0x10: {  	s16 =	sadd.s32 s26, s7;
	v1 =	vmov s19;
	s19 =	simm.s32 $0x2000;
	s0 =	sshrl.u32 s0, $0x3  }
.Ltmp0:
0x11: {  	s10 =	sor.u32 s5, s28;
	s22 =	sadd.s32 $0xFFFFFFD8, s16;
	(pc) =	sbr.rel .LBB2_1-.Ltmp0, $4  }
0x12: {  	s20 =	sadd.s32 $0xFFFFFF88, s16;
	s16 =	simm.s32 $0x3;
	s13 =	sshll.u32 s22, $0xE  }
0x13: {  	s9 =	sadd.s32 s1, s0;
	s29 =	sshrl.u32 s10, $0x3;
	s31 =	sor.u32 s5, s13  }
0x14: {  	v2 =	vmov s20;
	s20 =	simm.s32 $0x20000;
	v3 =	vmov s22;
	s22 =	simm.s32 $0x2;
	s0 =	sshrl.u32 s31, $0x3  }
0x15: {  	v4 =	vlaneseq.u32;
	v5 =	vimm.f32 $0.0e+00;
	v0 =	vmov s7;
	s10 =	sadd.s32 s1, s29;
	s13 =	sadd.s32 $0x78, s7;
	s14 =	sadd.s32 s1, s0  }
.LBB2_15:
0x16: {  	s23 =	sadd.s32 $0x1, s23  }
0x17: {  	_ =	swait.ge [sflag:s22], $0xA000;
	p1 =	sne.s32 s23, s15  }
.Ltmp1:
0x18: {  	[sflag:s22] =	ssyncset.done $0x0;
	(pc) =	sbr.rel @!p1 .LBB2_16-.Ltmp1, $4  }
0x19: {  	[sflag:s22] =	ssyncadd.s32 $0xFFFF6000  }
0x1a: {  	_ =	swait.ge [sflag:s21], $0xA000  }
0x1b: {  	[sflag:s21] =	ssyncset.done $0x0  }
0x1c: {  	[sflag:s21] =	ssyncadd.s32 $0xFFFF6000  }
.LBB2_1:
0x1d: {  	[tilespmem:s2], [sflag:$0x3] =	stream.linear.gather [hbm4b:s6+s2], $0x400, $0x38;
	[tilespmem:$0x14800] =	vst v63  }
0x1e: {  	_ =	swait.ge [sflag:s16], $0x400  }
0x1f: {  	[sflag:s16] =	ssyncset.done $0x0  }
0x20: {  	s24 =	simm.s32 $0x400;
	[sflag:s16] =	ssyncadd.s32 $0xFFFFFC00  }
0x21: {  	[tilespmem:s24], [sflag:$0x3] =	stream.linear.gather [hbm4b:s8+s2], $0x400, $0x38;
	[tilespmem:$0x14800] =	vst v63  }
0x22: {  	_ =	swait.ge [sflag:s16], $0x400  }
0x23: {  	[sflag:s16] =	ssyncset.done $0x0  }
0x24: {  	[sflag:s16] =	ssyncadd.s32 $0xFFFFFC00  }
0x25: {  	[tilespmem:s17], [sflag:$0x3] =	stream.linear.gather [hbm4b:s4+s2], $0xA000, $0x38;
	[tilespmem:$0x14800] =	vst v63  }
0x26: {  	_ =	swait.ge [sflag:s16], $0xA000  }
0x27: {  	[sflag:s16] =	ssyncset.done $0x0  }
0x28: {  	[sflag:s16] =	ssyncadd.s32 $0xFFFF6000  }
0x29: {  	[tilespmem:s18], [sflag:$0x3] =	stream.linear.gather [hbm4b:s4+s2], $0xA000, $0x38;
	[tilespmem:$0x14800] =	vst v63  }
0x2a: {  	_ =	swait.ge [sflag:s16], $0xA000  }
0x2b: {  	[sflag:s16] =	ssyncset.done $0x0  }
0x2c: {  	[sflag:s16] =	ssyncadd.s32 $0xFFFF6000  }
0x2d: {  	v6 =	vld [tilespmem:s2+$0x0];
	_ =	sdelay $0x2  }
0x2e: {  	v7 =	vmov s2;
	v8 =	vor.u32 s2, v4  }
0x2f: {  	v8 =	vand.u32 $0x7F, v8;
	v7 =	vshll.u32 v7, $0x3  }
0x30: {  	v7 =	vand.u32 $0x1C00, v7;
	v9 =	vsub.s32 v6, v0;
	v6 =	vshll.u32 v6, $0x7  }
0x31: {  	v7 =	vor.u32 v7, v8;
	v10 =	vshll.u32 v9, $0xA;
	v6 =	vand.u32 $0x380, v6  }
0x32: {  	vm0 =	vlt.u32 v9, $0x28;
	v8 =	vand.u32 $0xFFFFE000, v10;
	v6 =	vor.u32 v6, v7  }
0x33: {  	v7 =	vld [tilespmem:s24+$0x0];
	v6 =	vor.u32 v8, v6;
	_ =	sdelay $0x4  }
0x34: {  	s0 =	simm.s32 $0x10;
	[tilespmem:v6+s17+$0x0] =	vst.idx.msk vm0, v7  }
0x35: {  	s25 =	simm.s32 $0x20;
	s26 =	simm.s32 $0x10;
	v6 =	vld [tilespmem:s0+$0x0]  }
.LBB2_2:
0x36: {  	p1 =	sne.s32 s25, $0x3F0;
	_ =	sdelay $0x1  }
0x37: {  	v7 =	vmov s0;
	v8 =	vor.u32 s0, v4;
	s0 =	smov.u32 s25  }
0x38: {  	v8 =	vand.u32 $0x7F, v8;
	v7 =	vshll.u32 v7, $0x3  }
0x39: {  	v7 =	vand.u32 $0x1C00, v7;
	v9 =	vsub.s32 v6, v0;
	v6 =	vshll.u32 v6, $0x7  }
0x3a: {  	v7 =	vor.u32 v7, v8;
	v10 =	vshll.u32 v9, $0xA;
	v6 =	vand.u32 $0x380, v6  }
0x3b: {  	s24 =	sadd.s32 $0x10, s24;
	vm0 =	vlt.u32 v9, $0x28;
	v8 =	vand.u32 $0xFFFFE000, v10;
	v6 =	vor.u32 v6, v7  }
0x3c: {  	v7 =	vld [tilespmem:s24+$0x0];
	v6 =	vor.u32 v8, v6;
	_ =	sdelay $0x1  }
.Ltmp2:
0x3d: {  	(pc) =	sbr.rel @p1 .LBB2_2-.Ltmp2, $3  }
0x3e: {  	_ =	sdelay $0x1  }
0x3f: {  	s26 =	sadd.s32 $0x10, s26;
	[tilespmem:v6+s17+$0x0] =	vst.idx.msk vm0, v7  }
0x40: {  	s25 =	sadd.s32 $0x10, s25;
	v6 =	vld [tilespmem:s26+$0x0]  }
0x41: {  	_ =	sdelay $0x1  }
0x42: {  	v7 =	vmov s0;
	v8 =	vor.u32 s0, v4  }
0x43: {  	v8 =	vand.u32 $0x7F, v8;
	v7 =	vshll.u32 v7, $0x3  }
0x44: {  	v7 =	vand.u32 $0x1C00, v7;
	v9 =	vsub.s32 v6, v0;
	v6 =	vshll.u32 v6, $0x7  }
0x45: {  	v7 =	vor.u32 v7, v8;
	v10 =	vshll.u32 v9, $0xA;
	v6 =	vand.u32 $0x380, v6  }
0x46: {  	s30 =	sadd.s32 $0x10, s24;
	vm0 =	vlt.u32 v9, $0x28;
	v8 =	vand.u32 $0xFFFFE000, v10;
	v6 =	vor.u32 v6, v7  }
0x47: {  	v7 =	vld [tilespmem:s30+$0x0];
	v6 =	vor.u32 v8, v6;
	_ =	sdelay $0x4  }
0x48: {  	s31 =	simm.s32 $0x0;
	[tilespmem:v6+s17+$0x0] =	vst.idx.msk vm0, v7  }
0x49: {  	[hbm4b:s9+s19] =	stream.strided.scatter [tilespmem:s17], [sflag:$0x1], $0xA000, s20, s19, $0x38;
	[tilespmem:$0x14800] =	vst v63  }
0x4a: {  	v6 =	vld [tilespmem:s31+$0x0];
	_ =	sdelay $0x2  }
0x4b: {  	v8 =	vor.u32 s31, v4;
	v7 =	vmov s31  }
0x4c: {  	v8 =	vand.u32 $0x7F, v8;
	v7 =	vshll.u32 v7, $0x3  }
0x4d: {  	v7 =	vand.u32 $0x1C00, v7;
	v62 =	vsub.s32 v6, v1;
	v6 =	vshll.u32 v6, $0x7  }
0x4e: {  	v7 =	vor.u32 v7, v8;
	v63 =	vshll.u32 v62, $0xA;
	v6 =	vand.u32 $0x380, v6  }
0x4f: {  	s24 =	simm.s32 $0x400;
	vm15 =	vlt.u32 v62, $0x28;
	v8 =	vand.u32 $0xFFFFE000, v63;
	v6 =	vor.u32 v6, v7  }
0x50: {  	v7 =	vld [tilespmem:s24+$0x0];
	v6 =	vor.u32 v8, v6;
	_ =	sdelay $0x4  }
0x51: {  	s0 =	simm.s32 $0x10;
	[tilespmem:v6+s18+$0x0] =	vst.idx.msk vm15, v7  }
0x52: {  	s25 =	simm.s32 $0x20;
	s26 =	simm.s32 $0x10;
	v6 =	vld [tilespmem:s0+$0x0]  }
.LBB2_4:
0x53: {  	p1 =	sne.s32 s25, $0x3F0;
	_ =	sdelay $0x1  }
0x54: {  	v7 =	vmov s0;
	v8 =	vor.u32 s0, v4;
	s0 =	smov.u32 s25  }
0x55: {  	v8 =	vand.u32 $0x7F, v8;
	v7 =	vshll.u32 v7, $0x3  }
0x56: {  	v7 =	vand.u32 $0x1C00, v7;
	v9 =	vsub.s32 v6, v1;
	v6 =	vshll.u32 v6, $0x7  }
0x57: {  	v7 =	vor.u32 v7, v8;
	v10 =	vshll.u32 v9, $0xA;
	v6 =	vand.u32 $0x380, v6  }
0x58: {  	s24 =	sadd.s32 $0x10, s24;
	vm0 =	vlt.u32 v9, $0x28;
	v8 =	vand.u32 $0xFFFFE000, v10;
	v6 =	vor.u32 v6, v7  }
0x59: {  	v7 =	vld [tilespmem:s24+$0x0];
	v6 =	vor.u32 v8, v6;
	_ =	sdelay $0x1  }
.Ltmp3:
0x5a: {  	(pc) =	sbr.rel @p1 .LBB2_4-.Ltmp3, $3  }
0x5b: {  	_ =	sdelay $0x1  }
0x5c: {  	s26 =	sadd.s32 $0x10, s26;
	[tilespmem:v6+s18+$0x0] =	vst.idx.msk vm0, v7  }
0x5d: {  	s25 =	sadd.s32 $0x10, s25;
	v6 =	vld [tilespmem:s26+$0x0]  }
0x5e: {  	_ =	sdelay $0x1  }
0x5f: {  	v7 =	vmov s0;
	v8 =	vor.u32 s0, v4  }
0x60: {  	v8 =	vand.u32 $0x7F, v8;
	v7 =	vshll.u32 v7, $0x3  }
0x61: {  	v7 =	vand.u32 $0x1C00, v7;
	v9 =	vsub.s32 v6, v1;
	v6 =	vshll.u32 v6, $0x7  }
0x62: {  	v7 =	vor.u32 v7, v8;
	v10 =	vshll.u32 v9, $0xA;
	v6 =	vand.u32 $0x380, v6  }
0x63: {  	s31 =	sadd.s32 $0x10, s24;
	vm0 =	vlt.u32 v9, $0x28;
	v63 =	vand.u32 $0xFFFFE000, v10;
	v6 =	vor.u32 v6, v7  }
0x64: {  	v7 =	vld [tilespmem:s31+$0x0];
	v6 =	vor.u32 v63, v6;
	_ =	sdelay $0x4  }
0x65: {  	s24 =	simm.s32 $0x0;
	s25 =	simm.s32 $0x0;
	[tilespmem:v6+s18+$0x0] =	vst.idx.msk vm0, v7  }
0x66: {  	[hbm4b:s10+s19] =	stream.strided.scatter [tilespmem:s18], [sflag:$0x2], $0xA000, s20, s19, $0x38;
	[tilespmem:$0x14800] =	vst v63  }
.LBB2_6:
0x67: {  	_ =	swait.ge [sflag:s21], $0xA000  }
0x68: {  	[sflag:s21] =	ssyncset.done $0x0  }
0x69: {  	[sflag:s21] =	ssyncadd.s32 $0xFFFF6000  }
0x6a: {  	v8 =	vld [tilespmem:s24+$0x0]  }
0x6b: {  	s26 =	smul.u32 $0x50, s25;
	_ =	sdelay $0x1  }
0x6c: {  	s0 =	sadd.s32 s7, s26  }
0x6d: {  	v6 =	vmov s0  }
0x6e: {  	v7 =	vmov s24;
	v9 =	vsub.s32 v8, v6  }
0x6f: {  	v7 =	vshll.u32 v7, $0x3;
	v10 =	vshll.u32 v9, $0xA  }
0x70: {  	v11 =	vor.u32 s24, v4;
	v12 =	vand.u32 $0x1C00, v7;
	v10 =	vand.u32 $0xFFFFE000, v10  }
0x71: {  	v11 =	vand.u32 $0x7F, v11;
	v7 =	vshll.u32 v8, $0x7;
	v10 =	vor.u32 v10, v12  }
0x72: {  	s28 =	sadd.s32 s26, s12;
	vm0 =	vlt.u32 v9, $0x28;
	v9 =	vand.u32 $0x380, v7;
	v10 =	vor.u32 v11, v10  }
0x73: {  	v7 =	vmov s28;
	v10 =	vor.u32 v9, v10  }
0x74: {  	v8 =	vsub.s32 v8, v7  }
0x75: {  	v13 =	vshll.u32 v8, $0xA  }
0x76: {  	v13 =	vand.u32 $0xFFFFE000, v13  }
0x77: {  	v12 =	vor.u32 v13, v12  }
0x78: {  	s29 =	simm.s32 $0x400;
	vm15 =	vlt.u32 v8, $0x28;
	v8 =	vor.u32 v11, v12;
	[tilespmem:v10+s17+$0x0] =	vst.idx.msk vm0, v5  }
0x79: {  	v8 =	vor.u32 v9, v8;
	v10 =	vld [tilespmem:s29+$0x0];
	_ =	sdelay $0x4  }
0x7a: {  	s30 =	simm.s32 $0x10;
	[tilespmem:v8+s17+$0x0] =	vst.idx.msk vm15, v10  }
0x7b: {  	s31 =	simm.s32 $0x20;
	s0 =	simm.s32 $0x10;
	v8 =	vld [tilespmem:s30+$0x0]  }
.LBB2_7:
0x7c: {  	p1 =	sne.s32 s31, $0x3F0;
	_ =	sdelay $0x3  }
0x7d: {  	v9 =	vmov s30;
	v10 =	vsub.s32 v8, v6  }
0x7e: {  	v9 =	vshll.u32 v9, $0x3;
	v11 =	vshll.u32 v10, $0xA  }
0x7f: {  	v12 =	vor.u32 s30, v4;
	s30 =	smov.u32 s31;
	v9 =	vand.u32 $0x1C00, v9;
	v11 =	vand.u32 $0xFFFFE000, v11  }
0x80: {  	v12 =	vand.u32 $0x7F, v12;
	v13 =	vshll.u32 v8, $0x7;
	v11 =	vor.u32 v11, v9  }
0x81: {  	vm0 =	vlt.u32 v10, $0x28;
	v10 =	vand.u32 $0x380, v13;
	v11 =	vor.u32 v12, v11  }
0x82: {  	v11 =	vor.u32 v10, v11  }
0x83: {  	v8 =	vsub.s32 v8, v7  }
0x84: {  	v13 =	vshll.u32 v8, $0xA  }
0x85: {  	v13 =	vand.u32 $0xFFFFE000, v13  }
0x86: {  	v9 =	vor.u32 v13, v9  }
0x87: {  	s29 =	sadd.s32 $0x10, s29;
	[tilespmem:v11+s17+$0x0] =	vst.idx.msk vm0, v5;
	vm0 =	vlt.u32 v8, $0x28;
	v8 =	vor.u32 v12, v9  }
0x88: {  	v9 =	vld [tilespmem:s29+$0x0];
	v8 =	vor.u32 v10, v8;
	_ =	sdelay $0x1  }
.Ltmp4:
0x89: {  	(pc) =	sbr.rel @p1 .LBB2_7-.Ltmp4, $3  }
0x8a: {  	_ =	sdelay $0x1  }
0x8b: {  	s0 =	sadd.s32 $0x10, s0;
	[tilespmem:v8+s17+$0x0] =	vst.idx.msk vm0, v9  }
0x8c: {  	s31 =	sadd.s32 $0x10, s31;
	v8 =	vld [tilespmem:s0+$0x0]  }
0x8d: {  	_ =	sdelay $0x3  }
0x8e: {  	v9 =	vmov s30;
	v6 =	vsub.s32 v8, v6  }
0x8f: {  	v9 =	vshll.u32 v9, $0x3;
	v10 =	vshll.u32 v6, $0xA  }
0x90: {  	v11 =	vor.u32 s30, v4;
	v9 =	vand.u32 $0x1C00, v9;
	v10 =	vand.u32 $0xFFFFE000, v10  }
0x91: {  	v11 =	vand.u32 $0x7F, v11;
	v12 =	vshll.u32 v8, $0x7;
	v10 =	vor.u32 v10, v9  }
0x92: {  	vm0 =	vlt.u32 v6, $0x28;
	v6 =	vand.u32 $0x380, v12;
	v10 =	vor.u32 v11, v10  }
0x93: {  	v10 =	vor.u32 v6, v10  }
0x94: {  	v7 =	vsub.s32 v8, v7  }
0x95: {  	v8 =	vshll.u32 v7, $0xA  }
0x96: {  	v8 =	vand.u32 $0xFFFFE000, v8  }
0x97: {  	v8 =	vor.u32 v8, v9  }
0x98: {  	s0 =	sadd.s32 $0x10, s29;
	vm13 =	vlt.u32 v7, $0x28;
	v7 =	vor.u32 v11, v8;
	[tilespmem:v10+s17+$0x0] =	vst.idx.msk vm0, v5  }
0x99: {  	v6 =	vor.u32 v6, v7;
	v8 =	vld [tilespmem:s0+$0x0];
	_ =	sdelay $0x1  }
0x9a: {  	s0 =	sshll.u32 s28, $0xE  }
0x9b: {  	s0 =	sor.u32 s5, s0  }
0x9c: {  	s0 =	sshrl.u32 s0, $0x3  }
0x9d: {  	s0 =	sadd.s32 s1, s0;
	[tilespmem:v6+s17+$0x0] =	vst.idx.msk vm13, v8  }
0x9e: {  	[hbm4b:s0+s19] =	stream.strided.scatter [tilespmem:s17], [sflag:$0x1], $0xA000, s20, s19, $0x38;
	[tilespmem:$0x14800] =	vst v63  }
0x9f: {  	_ =	swait.ge [sflag:s22], $0xA000  }
0xa0: {  	[sflag:s22] =	ssyncset.done $0x0  }
0xa1: {  	s0 =	simm.s32 $0x0;
	[sflag:s22] =	ssyncadd.s32 $0xFFFF6000  }
0xa2: {  	v8 =	vld [tilespmem:s0+$0x0];
	_ =	sdelay $0x1  }
0xa3: {  	s26 =	sadd.s32 s26, s13  }
0xa4: {  	s28 =	sadd.s32 $0xFFFFFFB0, s26  }
0xa5: {  	v6 =	vmov s28  }
0xa6: {  	v7 =	vsub.s32 v8, v6  }
0xa7: {  	v9 =	vmov s0;
	v10 =	vshll.u32 v7, $0xA;
	v11 =	vshll.u32 v7, $0x7  }
0xa8: {  	v9 =	vshll.u32 v9, $0x3;
	v10 =	vand.u32 $0xFFFFE000, v10;
	v11 =	vand.u32 $0x380, v11  }
0xa9: {  	v62 =	vor.u32 s0, v4;
	v9 =	vand.u32 $0x1C00, v9;
	v10 =	vor.u32 v10, v11  }
0xaa: {  	vm14 =	vlt.u32 v7, $0x28;
	v11 =	vand.u32 $0x7F, v62;
	v10 =	vor.u32 v9, v10  }
0xab: {  	v7 =	vmov s26;
	v10 =	vor.u32 v11, v10  }
0xac: {  	v63 =	vsub.s32 v8, v7  }
0xad: {  	v8 =	vshll.u32 v8, $0x7;
	v13 =	vshll.u32 v63, $0xA  }
0xae: {  	v8 =	vand.u32 $0x380, v8;
	v13 =	vand.u32 $0xFFFFE000, v13  }
0xaf: {  	v8 =	vor.u32 v13, v8  }
0xb0: {  	s28 =	simm.s32 $0x400;
	vm15 =	vlt.u32 v63, $0x28;
	v8 =	vor.u32 v9, v8;
	[tilespmem:v10+s18+$0x0] =	vst.idx.msk vm14, v5  }
0xb1: {  	v8 =	vor.u32 v11, v8;
	v9 =	vld [tilespmem:s28+$0x0];
	_ =	sdelay $0x4  }
0xb2: {  	s29 =	simm.s32 $0x10;
	[tilespmem:v8+s18+$0x0] =	vst.idx.msk vm15, v9  }
0xb3: {  	s30 =	simm.s32 $0x20;
	s31 =	simm.s32 $0x10;
	v8 =	vld [tilespmem:s29+$0x0]  }
.LBB2_9:
0xb4: {  	p1 =	sne.s32 s30, $0x3F0;
	_ =	sdelay $0x3  }
0xb5: {  	v9 =	vsub.s32 v8, v6  }
0xb6: {  	v10 =	vmov s29;
	v11 =	vshll.u32 v9, $0xA;
	v12 =	vshll.u32 v9, $0x7  }
0xb7: {  	v10 =	vshll.u32 v10, $0x3;
	v11 =	vand.u32 $0xFFFFE000, v11;
	v12 =	vand.u32 $0x380, v12  }
0xb8: {  	v13 =	vor.u32 s29, v4;
	s29 =	smov.u32 s30;
	v10 =	vand.u32 $0x1C00, v10;
	v11 =	vor.u32 v11, v12  }
0xb9: {  	vm0 =	vlt.u32 v9, $0x28;
	v9 =	vand.u32 $0x7F, v13;
	v11 =	vor.u32 v10, v11  }
0xba: {  	v11 =	vor.u32 v9, v11  }
0xbb: {  	v12 =	vsub.s32 v8, v7  }
0xbc: {  	v8 =	vshll.u32 v8, $0x7;
	v13 =	vshll.u32 v12, $0xA  }
0xbd: {  	v8 =	vand.u32 $0x380, v8;
	v13 =	vand.u32 $0xFFFFE000, v13  }
0xbe: {  	v8 =	vor.u32 v13, v8  }
0xbf: {  	s28 =	sadd.s32 $0x10, s28;
	v8 =	vor.u32 v10, v8;
	[tilespmem:v11+s18+$0x0] =	vst.idx.msk vm0, v5;
	vm0 =	vlt.u32 v12, $0x28  }
0xc0: {  	v8 =	vor.u32 v9, v8;
	v10 =	vld [tilespmem:s28+$0x0];
	_ =	sdelay $0x1  }
.Ltmp5:
0xc1: {  	(pc) =	sbr.rel @p1 .LBB2_9-.Ltmp5, $3  }
0xc2: {  	_ =	sdelay $0x1  }
0xc3: {  	s31 =	sadd.s32 $0x10, s31;
	[tilespmem:v8+s18+$0x0] =	vst.idx.msk vm0, v10  }
0xc4: {  	s30 =	sadd.s32 $0x10, s30;
	v8 =	vld [tilespmem:s31+$0x0]  }
0xc5: {  	_ =	sdelay $0x3  }
0xc6: {  	v6 =	vsub.s32 v8, v6  }
0xc7: {  	v9 =	vmov s29;
	v10 =	vshll.u32 v6, $0xA;
	v11 =	vshll.u32 v6, $0x7  }
0xc8: {  	v9 =	vshll.u32 v9, $0x3;
	v10 =	vand.u32 $0xFFFFE000, v10;
	v11 =	vand.u32 $0x380, v11  }
0xc9: {  	v12 =	vor.u32 s29, v4;
	v9 =	vand.u32 $0x1C00, v9;
	v10 =	vor.u32 v10, v11  }
0xca: {  	vm0 =	vlt.u32 v6, $0x28;
	v6 =	vand.u32 $0x7F, v12;
	v10 =	vor.u32 v9, v10  }
0xcb: {  	v10 =	vor.u32 v6, v10  }
0xcc: {  	v7 =	vsub.s32 v8, v7  }
0xcd: {  	v62 =	vshll.u32 v8, $0x7;
	v61 =	vshll.u32 v7, $0xA  }
0xce: {  	v8 =	vand.u32 $0x380, v62;
	v11 =	vand.u32 $0xFFFFE000, v61  }
0xcf: {  	v8 =	vor.u32 v11, v8  }
0xd0: {  	s0 =	sadd.s32 $0x10, s28;
	vm15 =	vlt.u32 v7, $0x28;
	v7 =	vor.u32 v9, v8;
	[tilespmem:v10+s18+$0x0] =	vst.idx.msk vm0, v5  }
0xd1: {  	s25 =	sadd.s32 $0x1, s25;
	v6 =	vor.u32 v6, v7;
	v63 =	vld [tilespmem:s0+$0x0]  }
0xd2: {  	p1 =	sne.s32 s25, s11  }
.Ltmp6:
0xd3: {  	s31 =	sshll.u32 s26, $0xE;
	(pc) =	sbr.rel @p1 .LBB2_6-.Ltmp6, $4  }
0xd4: {  	s0 =	sor.u32 s5, s31  }
0xd5: {  	s0 =	sshrl.u32 s0, $0x3  }
0xd6: {  	s0 =	sadd.s32 s1, s0;
	[tilespmem:v6+s18+$0x0] =	vst.idx.msk vm15, v63  }
0xd7: {  	[hbm4b:s0+s19] =	stream.strided.scatter [tilespmem:s18], [sflag:$0x2], $0xA000, s20, s19, $0x38;
	[tilespmem:$0x14800] =	vst v63  }
.Ltmp7:
0xd8: {  	(pc) =	sbr.rel @p0 .LBB2_15-.Ltmp7, $1  }
0xd9: {  	_ =	sdelay $0x3  }
0xda: {  	_ =	swait.ge [sflag:s21], $0xA000  }
0xdb: {  	[sflag:s21] =	ssyncset.done $0x0  }
0xdc: {  	s0 =	simm.s32 $0x0;
	[sflag:s21] =	ssyncadd.s32 $0xFFFF6000  }
0xdd: {  	v6 =	vld [tilespmem:s0+$0x0];
	_ =	sdelay $0x4  }
0xde: {  	v7 =	vsub.s32 v6, v2  }
0xdf: {  	v8 =	vmov s0;
	v9 =	vshll.u32 v7, $0xA;
	v10 =	vshll.u32 v7, $0x7  }
0xe0: {  	v8 =	vshll.u32 v8, $0x3;
	v9 =	vand.u32 $0xFFFFE000, v9;
	v10 =	vand.u32 $0x380, v10  }
0xe1: {  	v11 =	vor.u32 s0, v4;
	v8 =	vand.u32 $0x1C00, v8;
	v9 =	vor.u32 v9, v10  }
0xe2: {  	vm0 =	vlt.u32 v7, $0x28;
	v7 =	vand.u32 $0x7F, v11;
	v9 =	vor.u32 v8, v9  }
0xe3: {  	v9 =	vor.u32 v7, v9  }
0xe4: {  	v62 =	vsub.s32 v6, v3  }
0xe5: {  	v6 =	vshll.u32 v6, $0x7;
	v63 =	vshll.u32 v62, $0xA  }
0xe6: {  	v6 =	vand.u32 $0x380, v6;
	v11 =	vand.u32 $0xFFFFE000, v63  }
0xe7: {  	v6 =	vor.u32 v11, v6  }
0xe8: {  	s24 =	simm.s32 $0x400;
	vm15 =	vlt.u32 v62, $0x28;
	v6 =	vor.u32 v8, v6;
	[tilespmem:v9+s17+$0x0] =	vst.idx.msk vm0, v5  }
0xe9: {  	v6 =	vor.u32 v7, v6;
	v8 =	vld [tilespmem:s24+$0x0];
	_ =	sdelay $0x4  }
0xea: {  	s25 =	simm.s32 $0x10;
	[tilespmem:v6+s17+$0x0] =	vst.idx.msk vm15, v8  }
0xeb: {  	s26 =	simm.s32 $0x20;
	s28 =	simm.s32 $0x10;
	v6 =	vld [tilespmem:s25+$0x0]  }
.LBB2_13:
0xec: {  	p1 =	sne.s32 s26, $0x3F0;
	_ =	sdelay $0x3  }
0xed: {  	v7 =	vsub.s32 v6, v2  }
0xee: {  	v8 =	vmov s25;
	v9 =	vshll.u32 v7, $0xA;
	v10 =	vshll.u32 v7, $0x7  }
0xef: {  	v8 =	vshll.u32 v8, $0x3;
	v9 =	vand.u32 $0xFFFFE000, v9;
	v10 =	vand.u32 $0x380, v10  }
0xf0: {  	v11 =	vor.u32 s25, v4;
	s25 =	smov.u32 s26;
	v8 =	vand.u32 $0x1C00, v8;
	v9 =	vor.u32 v9, v10  }
0xf1: {  	vm0 =	vlt.u32 v7, $0x28;
	v7 =	vand.u32 $0x7F, v11;
	v9 =	vor.u32 v8, v9  }
0xf2: {  	v9 =	vor.u32 v7, v9  }
0xf3: {  	v10 =	vsub.s32 v6, v3  }
0xf4: {  	v6 =	vshll.u32 v6, $0x7;
	v11 =	vshll.u32 v10, $0xA  }
0xf5: {  	v6 =	vand.u32 $0x380, v6;
	v11 =	vand.u32 $0xFFFFE000, v11  }
0xf6: {  	v6 =	vor.u32 v11, v6  }
0xf7: {  	s24 =	sadd.s32 $0x10, s24;
	v6 =	vor.u32 v8, v6;
	[tilespmem:v9+s17+$0x0] =	vst.idx.msk vm0, v5;
	vm0 =	vlt.u32 v10, $0x28  }
0xf8: {  	v6 =	vor.u32 v7, v6;
	v8 =	vld [tilespmem:s24+$0x0];
	_ =	sdelay $0x1  }
.Ltmp8:
0xf9: {  	(pc) =	sbr.rel @p1 .LBB2_13-.Ltmp8, $3  }
0xfa: {  	_ =	sdelay $0x1  }
0xfb: {  	s28 =	sadd.s32 $0x10, s28;
	[tilespmem:v6+s17+$0x0] =	vst.idx.msk vm0, v8  }
0xfc: {  	s26 =	sadd.s32 $0x10, s26;
	v6 =	vld [tilespmem:s28+$0x0]  }
0xfd: {  	_ =	sdelay $0x3  }
0xfe: {  	v7 =	vsub.s32 v6, v2  }
0xff: {  	v8 =	vmov s25;
	v9 =	vshll.u32 v7, $0xA;
	v10 =	vshll.u32 v7, $0x7  }
0x100: {  	v8 =	vshll.u32 v8, $0x3;
	v9 =	vand.u32 $0xFFFFE000, v9;
	v10 =	vand.u32 $0x380, v10  }
0x101: {  	v11 =	vor.u32 s25, v4;
	v8 =	vand.u32 $0x1C00, v8;
	v9 =	vor.u32 v9, v10  }
0x102: {  	vm0 =	vlt.u32 v7, $0x28;
	v7 =	vand.u32 $0x7F, v11;
	v9 =	vor.u32 v8, v9  }
0x103: {  	v9 =	vor.u32 v7, v9  }
0x104: {  	v61 =	vsub.s32 v6, v3  }
0x105: {  	v6 =	vshll.u32 v6, $0x7;
	v62 =	vshll.u32 v61, $0xA  }
0x106: {  	v6 =	vand.u32 $0x380, v6;
	v11 =	vand.u32 $0xFFFFE000, v62  }
0x107: {  	v6 =	vor.u32 v11, v6  }
0x108: {  	s0 =	sadd.s32 $0x10, s24;
	vm15 =	vlt.u32 v61, $0x28;
	v6 =	vor.u32 v8, v6;
	[tilespmem:v9+s17+$0x0] =	vst.idx.msk vm0, v5  }
0x109: {  	v6 =	vor.u32 v7, v6;
	v63 =	vld [tilespmem:s0+$0x0];
	_ =	sdelay $0x1  }
.Ltmp9:
0x10a: {  	_ = 	snop;
	(pc) =	sbr.rel .LBB2_15-.Ltmp9, $3  }
0x10b: {  	_ =	sdelay $0x1  }
0x10c: {  	[tilespmem:v6+s17+$0x0] =	vst.idx.msk vm15, v63  }
0x10d: {  	[hbm4b:s14+s19] =	stream.strided.scatter [tilespmem:s17], [sflag:$0x1], $0xA000, s20, s19, $0x38;
	[tilespmem:$0x14800] =	vst v63  }
.LBB2_16:
0x10e: {  	_ =	sfence.sel $0x180000  }
0x10f: {  	[bflag:$0x0] =	sbarrier.arrive $0xFFFF  }
0x110: {  	_ =	strace $0x90000047  }
0x111: {  	[bflag:$0x2] =	sbarrier.arrive $0xFFFF  }
0x112: {  	p0 =	sne.s32 s3, $0x0;
	s0 =	rddreg [dreg:$0x4]  }
0x113: {  	s0 =	sadd.s32 @!p0 $0x100000, s0  }
0x114: {  	[sflag:s0] =	ssyncadd.tile.s32 @!p0 $0x1;
	_ =	shalt  }
.Lfunc_end2:
_tile_overlayer_lowered:
.L_overlay_start_2:
0x115: {  	(tag) =	ssettag $0x2  }
0x116: {  	s0 =	rddreg [dreg:$0x0];
	s2 =	stileid.u32  }
0x117: {  	s1 =	rddreg [dreg:$0x1];
	p0 =	sne.s32 s2, $0x0  }
0x118: {  	s3 =	rddreg [dreg:$0x2];
	[bflag:$0x3] =	sbarrier.arrive $0xFFFF;
	s2 =	simm.s32 @!p0 $0x1C03  }
0x119: {  	[timem:s3], [sflag:s2] =	dma.local @!p0 [hbm:s0], s1  }
0x11a: {  	s0 =	simm.s32 @!p0 $0x3  }
0x11b: {  	_ =	swait.ge @!p0 [sflag:s0], s1  }
0x11c: {  	s1 =	ssub.s32 @!p0 $0x0, s1;
	[sflag:s0] =	ssyncset.done @!p0 $0x0  }
0x11d: {  	[sflag:s0] =	ssyncadd.s32 @!p0 s1  }
0x11e: {  	[bflag:$0x3] =	sbarrier.arrive $0xFFFF  }
0x11f: {  	_ =	shalt  }

</sc_bundles>
